<compile_context>
chip_gen: v7x
topology: tpu7x:2x2x1
jax: 0.10.2.dev20260603
libtpu: 0.0.44.dev20260713+nightly
codegen_flags: <defaults>
</compile_context>

<pallas_src>
import functools

import jax
import jax.numpy as jnp
from jax import lax
from jax.experimental import pallas as pl
from jax.experimental.pallas import tpu as pltpu
from jax.experimental.pallas import tpu_sc as plsc

_NC = 2
_NS = 16
_NW = _NC * _NS

_D1 = 16
_D2 = 16

_CJ = 125
_CI = 16


def _dense_mlp_call(xt, w1t, bc, f1ct, w2t, b1, f2t, b2, blk):
  BF, _, N = xt.shape
  F = BF // 2
  B = 2

  def body(x_ref, w1_ref, bc_ref, f1c_ref, w2_ref, b1_ref, f2_ref, b2_ref,
           out_ref):
    ps = []
    for b in range(B):
      X = x_ref[b * F:(b + 1) * F, 0, :]
      h = jnp.maximum(
          jnp.dot(w1_ref[...], X, preferred_element_type=jnp.float32)
          + bc_ref[...], 0.0)
      g = jnp.maximum(
          jnp.dot(f1c_ref[...], h, preferred_element_type=jnp.float32)
          + jnp.dot(w2_ref[...], X, preferred_element_type=jnp.float32)
          + b1_ref[...], 0.0)
      ps.append(jnp.dot(f2_ref[...], g, preferred_element_type=jnp.float32)
                + b2_ref[...])
    t16 = jnp.concatenate(
        [ps[0], ps[1],
         jnp.ones((1, blk), jnp.float32),
         jnp.zeros((5, blk), jnp.float32)], axis=0)
    out_ref[...] = t16.T

  grid = (pl.cdiv(N, blk),)
  full = lambda a: pl.BlockSpec(a.shape, lambda i: (0,) * a.ndim)
  return pl.pallas_call(
      body,
      grid=grid,
      in_specs=[
          pl.BlockSpec((BF, 1, blk), lambda i: (0, 0, i)),
          full(w1t), full(bc), full(f1ct), full(w2t), full(b1), full(f2t),
          full(b2),
      ],
      out_specs=pl.BlockSpec((blk, _D1), lambda i: (i, 0)),
      out_shape=jax.ShapeDtypeStruct((N, _D1), jnp.float32),
  )(xt, w1t, bc, f1ct, w2t, b1, f2t, b2)


def _edge_split_call(edge_index, blk=65536):
  _, E = edge_index.shape
  g = -(-E // blk)

  def body(e_ref, s_ref, d_ref):
    s_ref[...] = e_ref[0]
    d_ref[...] = e_ref[1]

  return pl.pallas_call(
      body,
      grid=(g,),
      in_specs=[pl.BlockSpec((2, blk), lambda i: (0, i))],
      out_specs=[pl.BlockSpec((blk,), lambda i: (i,)),
                 pl.BlockSpec((blk,), lambda i: (i,))],
      out_shape=[jax.ShapeDtypeStruct((g * blk,), jnp.int32)] * 2,
  )(edge_index)


def _make_agg(N, E, D):
  C = _CI * _CJ
  H = C // 2
  nj = H // _CJ
  assert E % (_NW * C) == 0
  nch = E // (_NW * C)
  ew = E // _NW
  rt = (N // _NS + 7) // 8 * 8
  assert rt * (_NS - 1) + rt >= N and (N - rt) % 8 == 0
  mesh = plsc.VectorSubcoreMesh(core_axis_name="c", subcore_axis_name="s")

  @functools.partial(
      pl.kernel,
      out_type=jax.ShapeDtypeStruct((_NC, N, D), jnp.float32),
      mesh=mesh,
      scratch_types=[
          pltpu.VMEM((C,), jnp.int32),
          pltpu.VMEM((C,), jnp.int32),
          pltpu.VMEM((H, D), jnp.float32),
          pltpu.VMEM((H, D), jnp.float32),
          pltpu.VMEM_SHARED((N, D), jnp.float32),
          pltpu.SemaphoreType.DMA,
          pltpu.SemaphoreType.DMA,
          pltpu.SemaphoreType.DMA,
          pltpu.SemaphoreType.DMA,
      ],
      compiler_params=pltpu.CompilerParams(use_tc_tiling_on_sc=False),
  )
  def agg(src_hbm, dst_hbm, table_hbm, zeros_hbm, out_hbm,
          sidx, didx, rows0, rows1, accum, gsem0, gsem1, ssem0, ssem1):
    cid = lax.axis_index("c")
    sid = lax.axis_index("s")
    wid = sid * _NC + cid

    off = jnp.minimum(sid * rt, N - rt)
    pltpu.sync_copy(zeros_hbm, accum.at[pl.ds(off, rt)])
    plsc.subcore_barrier()

    base = wid * ew
    rows = (rows0, rows1)
    gsem = (gsem0, gsem1)
    ssem = (ssem0, ssem1)

    def sdrain(h):
      pltpu.make_async_copy(
          rows[h], accum.at[didx.at[pl.ds(h * H, H)]], ssem[h]).wait()

    def chunk(g, carry):
      @pl.when(g > 0)
      def _():
        sdrain(0)
        sdrain(1)
      r0 = base + g * C
      pltpu.sync_copy(src_hbm.at[pl.ds(r0, C)], sidx)
      pltpu.sync_copy(dst_hbm.at[pl.ds(r0, C)], didx)
      for h in range(2):
        pltpu.async_copy(
            table_hbm.at[sidx.at[pl.ds(h * H, H)]], rows[h], gsem[h])
      for h in range(2):
        pltpu.make_async_copy(
            table_hbm.at[sidx.at[pl.ds(h * H, H)]], rows[h], gsem[h]).wait()
        pltpu.async_copy(
            rows[h], accum.at[didx.at[pl.ds(h * H, H)]], ssem[h], add=True)
      return carry

    lax.fori_loop(0, nch, chunk, 0)
    sdrain(0)
    sdrain(1)

    plsc.subcore_barrier()
    pltpu.sync_copy(accum.at[pl.ds(off, rt)],
                    out_hbm.at[cid, pl.ds(off, rt)])

  return agg


def _combine1_call(part, table, UU, VV, CB, cbias, rmask, blk):
  _, R, _ = part.shape

  def body(p_ref, t_ref, uu_ref, vv_ref, cbm_ref, cb_ref, rm_ref, out_ref):
    hi = jax.lax.Precision.HIGHEST
    agg = p_ref[0] + p_ref[1]
    cntb = jnp.dot(agg, cbm_ref[...], precision=hi,
                   preferred_element_type=jnp.float32)
    r = 1.0 / jnp.maximum(cntb, 1.0)
    S = (jnp.dot(agg, uu_ref[...], precision=hi,
                 preferred_element_type=jnp.float32) * r
         + jnp.dot(t_ref[...], vv_ref[...], precision=hi,
                   preferred_element_type=jnp.float32)
         + cb_ref[...] + r * rm_ref[...])
    out_ref[...] = S

  grid = (R // blk,)
  full = lambda a: pl.BlockSpec(a.shape, lambda i: (0,) * a.ndim)
  return pl.pallas_call(
      body,
      grid=grid,
      in_specs=[
          pl.BlockSpec((2, blk, 128), lambda i: (0, i, 0)),
          pl.BlockSpec((blk, 128), lambda i: (i, 0)),
          full(UU), full(VV), full(CB), full(cbias), full(rmask),
      ],
      out_specs=pl.BlockSpec((blk, 128), lambda i: (i, 0)),
      out_shape=jax.ShapeDtypeStruct((R, 128), jnp.float32),
  )(part, table, UU, VV, CB, cbias, rmask)


def _combine2_call(part2, stable, CB4, QM, m01, blk):
  _, R, _ = part2.shape

  def body(p_ref, s_ref, cb4_ref, qm_ref, m01_ref, out_ref):
    hi = jax.lax.Precision.HIGHEST
    agg = p_ref[0] + p_ref[1]
    rb = jnp.dot(s_ref[...], cb4_ref[...], precision=hi,
                 preferred_element_type=jnp.float32)
    qm = jnp.dot(s_ref[...], qm_ref[...], precision=hi,
                 preferred_element_type=jnp.float32)
    out_ref[...] = agg * rb * m01_ref[...] + qm

  grid = (R // blk,)
  full = lambda a: pl.BlockSpec(a.shape, lambda i: (0,) * a.ndim)
  return pl.pallas_call(
      body,
      grid=grid,
      in_specs=[
          pl.BlockSpec((2, blk, 128), lambda i: (0, i, 0)),
          pl.BlockSpec((blk, 128), lambda i: (i, 0)),
          full(CB4), full(QM), full(m01),
      ],
      out_specs=pl.BlockSpec((blk, 128), lambda i: (i, 0)),
      out_shape=jax.ShapeDtypeStruct((R, 128), jnp.float32),
  )(part2, stable, CB4, QM, m01)


def kernel(x, edge_index, ct_w, ct_b, cr_w, cr_b, ctp_w, ctp_b, cs_w, cs_b,
           fc1_w, fc1_b, fc2_w, fc2_b, g1_l_w, g1_l_b, g1_r_w,
           g2_l_w, g2_l_b, g2_r_w):
  B, S, N, F = x.shape
  E = edge_index.shape[1]
  f32 = jnp.float32

  OC = ct_w.shape[0]
  NH = 4 * OC
  Wc = jnp.zeros((F - 12, NH), f32)
  for i, w in enumerate((ct_w, cr_w, ctp_w, cs_w)):
    Wc = Wc.at[24 * i:24 * (i + 1), OC * i:OC * (i + 1)].set(w[:, 0, :].T)
  W1t = jnp.zeros((NH, F), f32).at[:, 12:].set(Wc.T)
  bc = jnp.concatenate([ct_b, cr_b, ctp_b, cs_b])[:, None]
  W2t = jnp.zeros((fc1_w.shape[0], F), f32).at[:, :12].set(fc1_w[:, :12])
  F1ct = fc1_w[:, 12:]
  b1 = fc1_b[:, None]
  F2t = fc2_w
  b2 = fc2_b[:, None]

  L1 = g1_l_w.T
  R1 = g1_r_w.T
  L2 = g2_l_w.T
  R2 = g2_r_w.T
  u = (L1 @ L2)[:, 0]
  v = (R1 @ L2)[:, 0]
  u2 = (L1 @ R2)[:, 0]
  v2 = (R1 @ R2)[:, 0]
  c1 = (g1_l_b @ L2)[0]
  c2 = (g1_l_b @ R2)[0] + g2_l_b[0]
  U16 = jnp.zeros((16, 16), f32)
  V16 = jnp.zeros((16, 16), f32)
  for b in range(B):
    U16 = U16.at[5 * b:5 * b + 5, b].set(u)
    U16 = U16.at[5 * b:5 * b + 5, 2 + b].set(u2)
    V16 = V16.at[5 * b:5 * b + 5, b].set(v)
    V16 = V16.at[5 * b:5 * b + 5, 2 + b].set(v2)
  eye8 = jnp.eye(8, dtype=f32)
  UU = jnp.kron(eye8, U16)
  VV = jnp.kron(eye8, V16)
  CB = jnp.kron(eye8, jnp.zeros((16, 16), f32).at[10, :].set(1.0))
  CB4 = jnp.kron(eye8, jnp.zeros((16, 16), f32).at[4, :].set(1.0))
  QM = jnp.kron(eye8, jnp.zeros((16, 16), f32).at[2, 0].set(1.0)
                .at[3, 1].set(1.0))
  cb16 = jnp.zeros((16,), f32).at[0:2].set(c1).at[2:4].set(c2)
  cbias = jnp.tile(cb16, 8)[None, :]
  rmask = jnp.tile(jnp.zeros((16,), f32).at[4].set(1.0), 8)[None, :]
  m01 = jnp.tile(jnp.zeros((16,), f32).at[0:2].set(1.0), 8)[None, :]

  xt = jnp.transpose(x, (0, 3, 1, 2)).reshape(B * F, 1, N)
  table = _dense_mlp_call(xt, W1t, bc, F1ct, W2t, b1, F2t, b2, blk=6272)

  src_flat, dst_flat = _edge_split_call(edge_index)
  rt = (N // _NS + 7) // 8 * 8
  zeros1 = jnp.zeros((rt, _D1), f32)
  part1 = _make_agg(N, E, _D1)(src_flat, dst_flat, table, zeros1)

  R = N // 8
  stable128 = _combine1_call(part1.reshape(2, R, 128), table.reshape(R, 128),
                             UU, VV, CB, cbias, rmask, blk=6250)
  stable = stable128.reshape(N, _D2)

  part2 = _make_agg(N, E, _D2)(src_flat, dst_flat, stable, zeros1)

  out128 = _combine2_call(part2.reshape(2, R, 128), stable128,
                          CB4, QM, m01, blk=6250)

  hv = out128.reshape(N, 16)[:, :2]
  return hv.T.reshape(B, 1, N)

# --- scband reference (transcript-rebuilt; emitter-appended) ---
"""Pipeline reference for scband-cnn-fc-graph-sage-4045859193433 (READ-ONLY COPY).

The authoritative reference and input builder live on the scoring server;
editing this copy changes nothing except your own understanding.
"""

import jax, jax.numpy as jnp
import numpy as np


def setup_inputs(seed: int = 0) -> dict:
    key = jax.random.key(seed)
    ks = jax.random.split(key, 24)
    B, S, N, F = 2, 1, 50000, 108
    E = 1600000
    OC = 5

    def w(k, shape, scale=0.05):
        return jax.random.normal(k, shape, dtype=jnp.float32) * scale

    inp = {}
    inp["x"] = jax.random.normal(ks[0], (B, S, N, F), dtype=jnp.float32)
    inp["edge_index"] = jax.random.randint(ks[1], (2, E), 0, N, dtype=jnp.int32)
    inp["ct_w"] = w(ks[2], (OC, 1, 24)); inp["ct_b"] = w(ks[3], (OC,))
    inp["cr_w"] = w(ks[4], (OC, 1, 24)); inp["cr_b"] = w(ks[5], (OC,))
    inp["ctp_w"] = w(ks[6], (OC, 1, 24)); inp["ctp_b"] = w(ks[7], (OC,))
    inp["cs_w"] = w(ks[8], (OC, 1, 24)); inp["cs_b"] = w(ks[9], (OC,))
    inp["fc1_w"] = w(ks[10], (20, 12 + 4 * OC)); inp["fc1_b"] = w(ks[11], (20,))
    inp["fc2_w"] = w(ks[12], (5, 20)); inp["fc2_b"] = w(ks[13], (5,))
    inp["g1_l_w"] = w(ks[14], (20, 5)); inp["g1_l_b"] = w(ks[15], (20,))
    inp["g1_r_w"] = w(ks[16], (20, 5))
    inp["g2_l_w"] = w(ks[17], (1, 20)); inp["g2_l_b"] = w(ks[18], (1,))
    inp["g2_r_w"] = w(ks[19], (1, 20))
    return inp


def _cnn(seg, wgt, b):
    # Conv1d(in=1, out=OC, kernel=24) over a length-24 window -> output length 1,
    # equivalent to a full dot product along the window.
    o = jnp.einsum('bcl,ocl->bo', seg, wgt) + b
    o = jax.nn.relu(o)
    # torch: [NB, OC, 1].permute(0, 2, 1) -> [NB, 1, OC]
    return o[:, None, :]


def _sage(xn, src, dst, lw, lb, rw):
    # PyG SAGEConv default: mean aggregation of source features at dst,
    # out = lin_l(mean_j x_j) + lin_r(x_i); lin_l has bias, lin_r has none.
    msg = xn[src]
    agg = jax.ops.segment_sum(msg, dst, num_segments=xn.shape[0])
    cnt = jax.ops.segment_sum(jnp.ones((src.shape[0],), xn.dtype), dst, num_segments=xn.shape[0])
    mean = agg / jnp.maximum(cnt, 1.0)[:, None]
    return mean @ lw.T + lb + xn @ rw.T


def reference(x, edge_index, ct_w, ct_b, cr_w, cr_b, ctp_w, ctp_b, cs_w, cs_b,
              fc1_w, fc1_b, fc2_w, fc2_b, g1_l_w, g1_l_b, g1_r_w,
              g2_l_w, g2_l_b, g2_r_w):
    B, S, N, F = x.shape
    out = jnp.transpose(x, (2, 0, 1, 3)).reshape(N * B, S, F)
    out_t = _cnn(out[:, :, 12:36], ct_w, ct_b)
    out_r = _cnn(out[:, :, 36:60], cr_w, cr_b)
    out_tp = _cnn(out[:, :, 60:84], ctp_w, ctp_b)
    out_ssr = _cnn(out[:, :, 84:108], cs_w, cs_b)
    output = jnp.concatenate([out[:, :, :12], out_t, out_r, out_tp, out_ssr], axis=2)
    output = jax.nn.relu(output @ fc1_w.T + fc1_b)
    output = output @ fc2_w.T + fc2_b
    output = jnp.transpose(output.reshape(N, B, -1), (1, 0, 2))  # [B, N, 5]
    src, dst = edge_index[0], edge_index[1]
    h1 = jnp.stack([_sage(output[i], src, dst, g1_l_w, g1_l_b, g1_r_w) for i in range(B)])  # [B, N, 20]
    h2 = jnp.stack([_sage(h1[i], src, dst, g2_l_w, g2_l_b, g2_r_w) for i in range(B)])  # [B, N, 1]
    return jnp.transpose(h2, (0, 2, 1))  # [B, 1, N]

if __name__ == "__main__":
    import jax
    _d = setup_inputs()
    print(jax.jit(kernel)(*tuple(_d.values())))

</pallas_src>

<mosaic_0001>
#map = affine_map<(d0, d1) -> (0)>
#map1 = affine_map<(d0, d1) -> (0, 0)>
#map2 = affine_map<(d0, d1) -> (0, 0, 0)>
module attributes {stable_mosaic.version = 14 : i64} {
  func.func @agg(%arg0: i32, %arg1: i32, %arg2: memref<1638400xi32, #tpu.memory_space<hbm>>, %arg3: memref<1638400xi32, #tpu.memory_space<hbm>>, %arg4: memref<50000x16xf32, #tpu.memory_space<hbm>>, %arg5: memref<3128x16xf32, #tpu.memory_space<hbm>>, %arg6: memref<2x50000x16xf32, #tpu.memory_space<hbm>>, %arg7: memref<2000xi32, #tpu.memory_space<vmem>>, %arg8: memref<2000xi32, #tpu.memory_space<vmem>>, %arg9: memref<1000x16xf32, #tpu.memory_space<vmem>>, %arg10: memref<1000x16xf32, #tpu.memory_space<vmem>>, %arg11: memref<50000x16xf32, #tpu.memory_space<vmem_shared>>, %arg12: memref<!tpu.dma_semaphore, #tpu.memory_space<semaphore_mem>>, %arg13: memref<!tpu.dma_semaphore, #tpu.memory_space<semaphore_mem>>, %arg14: memref<!tpu.dma_semaphore, #tpu.memory_space<semaphore_mem>>, %arg15: memref<!tpu.dma_semaphore, #tpu.memory_space<semaphore_mem>>) attributes {dimension_semantics = [#tpu.dimension_semantics<core_parallel>, #tpu.dimension_semantics<subcore_parallel>], iteration_bounds = array<i64: 2, 16>, scalar_prefetch = 0 : i64, scratch_operands = 9 : i64, tpu.core_type = #tpu.core_type<sc_vector_subcore>, window_params = [{transform_indices = #map}, {transform_indices = #map}, {transform_indices = #map1}, {transform_indices = #map1}, {transform_indices = #map2}]} {
    %mul3A = arith.constant 2 : i32
    %mul3A_0 = arith.muli %arg1, %mul3A : i32
    %add3A = arith.addi %mul3A_0, %arg0 : i32
    %mul3A_1 = arith.constant 3128 : i32
    %mul3A_2 = arith.muli %arg1, %mul3A_1 : i32
    %min3A = arith.constant 46872 : i32
    %min3A_3 = arith.minsi %mul3A_2, %min3A : i32
    "tpu.region"() ({
      %run_scoped3A = tpu.sem_alloc : memref<!tpu.dma_semaphore, #tpu.memory_space<semaphore_mem>>
      %dma_start3A = arith.constant 0 : i32
      %dma_start3A_21 = tpu.memref_slice %arg11[%min3A_3, %dma_start3A] : memref<50000x16xf32, #tpu.memory_space<vmem_shared>> -> memref<3128x16xf32, #tpu.memory_space<vmem_shared>>
      tpu.enqueue_dma source(%arg5 : memref<3128x16xf32, #tpu.memory_space<hbm>>) target(%dma_start3A_21 : memref<3128x16xf32, #tpu.memory_space<vmem_shared>>) target_semaphore(%run_scoped3A : memref<!tpu.dma_semaphore, #tpu.memory_space<semaphore_mem>>)
      %dma_wait3A_22 = arith.constant 0 : i32
      %dma_wait3A_23 = tpu.memref_slice %arg11[%min3A_3, %dma_wait3A_22] : memref<50000x16xf32, #tpu.memory_space<vmem_shared>> -> memref<3128x16xf32, #tpu.memory_space<vmem_shared>>
      tpu.wait_dma2 semaphore(%run_scoped3A : memref<!tpu.dma_semaphore, #tpu.memory_space<semaphore_mem>>) src(%arg5 : memref<3128x16xf32, #tpu.memory_space<hbm>>) dst(%dma_wait3A_23 : memref<3128x16xf32, #tpu.memory_space<vmem_shared>>)
      tpu.yield
    }) : () -> ()
    %barrier3A = arith.constant 0 : index
    tpu.barrier barrier_id(%barrier3A)
    %mul3A_4 = arith.constant 50000 : i32
    %mul3A_5 = arith.muli %add3A, %mul3A_4 : i32
    %scan3A = arith.constant 0 : i32
    %scan3A_6 = arith.constant 0 : i32
    %scan3A_7 = arith.constant 25 : i32
    %scan3A_8 = arith.addi %scan3A_6, %scan3A_7 : i32
    %scan3A_9 = arith.constant 1 : i32
    scf.for %scan3A_21 = %scan3A_6 to %scan3A_8 step %scan3A_9  : i32 {
      %gt3A = arith.constant 0 : i32
      %gt3A_22 = arith.cmpi sgt, %scan3A_21, %gt3A : i32
      %convert_element_type3A = arith.extui %gt3A_22 : i1 to i32
      %cond3A = arith.constant 0 : i32
      %cond3A_23 = arith.cmpi ne, %convert_element_type3A, %cond3A : i32
      scf.if %cond3A_23 {
        %dma_wait3A_56 = arith.constant 0 : i32
        %dma_wait3A_57 = tpu.memref_slice %arg8[%dma_wait3A_56] : memref<2000xi32, #tpu.memory_space<vmem>> -> memref<1000xi32, #tpu.memory_space<vmem>>
        %dma_wait3A_58 = arith.constant 0 : i32
        %dma_wait3A_59 = arith.constant 0 : i32
        %dma_wait3A_60 = tpu.memref_slice %arg11[%dma_wait3A_58, %dma_wait3A_59] : memref<50000x16xf32, #tpu.memory_space<vmem_shared>> -> memref<50000x16xf32, #tpu.memory_space<vmem_shared>>
        tpu.wait_indirect_dma semaphore(%arg14 : memref<!tpu.dma_semaphore, #tpu.memory_space<semaphore_mem>>) src(%arg9 : memref<1000x16xf32, #tpu.memory_space<vmem>>) dst(%dma_wait3A_60 : memref<50000x16xf32, #tpu.memory_space<vmem_shared>>)
        %dma_wait3A_61 = arith.constant 1000 : i32
        %dma_wait3A_62 = tpu.memref_slice %arg8[%dma_wait3A_61] : memref<2000xi32, #tpu.memory_space<vmem>> -> memref<1000xi32, #tpu.memory_space<vmem>>
        %dma_wait3A_63 = arith.constant 0 : i32
        %dma_wait3A_64 = arith.constant 0 : i32
        %dma_wait3A_65 = tpu.memref_slice %arg11[%dma_wait3A_63, %dma_wait3A_64] : memref<50000x16xf32, #tpu.memory_space<vmem_shared>> -> memref<50000x16xf32, #tpu.memory_space<vmem_shared>>
        tpu.wait_indirect_dma semaphore(%arg15 : memref<!tpu.dma_semaphore, #tpu.memory_space<semaphore_mem>>) src(%arg10 : memref<1000x16xf32, #tpu.memory_space<vmem>>) dst(%dma_wait3A_65 : memref<50000x16xf32, #tpu.memory_space<vmem_shared>>)
      } else {
      }
      %mul3A_24 = arith.constant 2000 : i32
      %mul3A_25 = arith.muli %scan3A_21, %mul3A_24 : i32
      %add3A_26 = arith.addi %mul3A_5, %mul3A_25 : i32
      "tpu.region"() ({
        %run_scoped3A = tpu.sem_alloc : memref<!tpu.dma_semaphore, #tpu.memory_space<semaphore_mem>>
        %dma_start3A_56 = tpu.memref_slice %arg2[%add3A_26] : memref<1638400xi32, #tpu.memory_space<hbm>> -> memref<2000xi32, #tpu.memory_space<hbm>>
        %dma_start3A_57 = tpu.memref_slice %arg2[%add3A_26] : memref<1638400xi32, #tpu.memory_space<hbm>> -> memref<2000xi32, #tpu.memory_space<hbm>>
        tpu.enqueue_dma source(%dma_start3A_57 : memref<2000xi32, #tpu.memory_space<hbm>>) target(%arg7 : memref<2000xi32, #tpu.memory_space<vmem>>) target_semaphore(%run_scoped3A : memref<!tpu.dma_semaphore, #tpu.memory_space<semaphore_mem>>)
        %dma_wait3A_58 = tpu.memref_slice %arg2[%add3A_26] : memref<1638400xi32, #tpu.memory_space<hbm>> -> memref<2000xi32, #tpu.memory_space<hbm>>
        %dma_wait3A_59 = tpu.memref_slice %arg2[%add3A_26] : memref<1638400xi32, #tpu.memory_space<hbm>> -> memref<2000xi32, #tpu.memory_space<hbm>>
        tpu.wait_dma2 semaphore(%run_scoped3A : memref<!tpu.dma_semaphore, #tpu.memory_space<semaphore_mem>>) src(%dma_wait3A_59 : memref<2000xi32, #tpu.memory_space<hbm>>) dst(%arg7 : memref<2000xi32, #tpu.memory_space<vmem>>)
        tpu.yield
      }) : () -> ()
      "tpu.region"() ({
        %run_scoped3A = tpu.sem_alloc : memref<!tpu.dma_semaphore, #tpu.memory_space<semaphore_mem>>
        %dma_start3A_56 = tpu.memref_slice %arg3[%add3A_26] : memref<1638400xi32, #tpu.memory_space<hbm>> -> memref<2000xi32, #tpu.memory_space<hbm>>
        %dma_start3A_57 = tpu.memref_slice %arg3[%add3A_26] : memref<1638400xi32, #tpu.memory_space<hbm>> -> memref<2000xi32, #tpu.memory_space<hbm>>
        tpu.enqueue_dma source(%dma_start3A_57 : memref<2000xi32, #tpu.memory_space<hbm>>) target(%arg8 : memref<2000xi32, #tpu.memory_space<vmem>>) target_semaphore(%run_scoped3A : memref<!tpu.dma_semaphore, #tpu.memory_space<semaphore_mem>>)
        %dma_wait3A_58 = tpu.memref_slice %arg3[%add3A_26] : memref<1638400xi32, #tpu.memory_space<hbm>> -> memref<2000xi32, #tpu.memory_space<hbm>>
        %dma_wait3A_59 = tpu.memref_slice %arg3[%add3A_26] : memref<1638400xi32, #tpu.memory_space<hbm>> -> memref<2000xi32, #tpu.memory_space<hbm>>
        tpu.wait_dma2 semaphore(%run_scoped3A : memref<!tpu.dma_semaphore, #tpu.memory_space<semaphore_mem>>) src(%dma_wait3A_59 : memref<2000xi32, #tpu.memory_space<hbm>>) dst(%arg8 : memref<2000xi32, #tpu.memory_space<vmem>>)
        tpu.yield
      }) : () -> ()
      %dma_start3A = arith.constant 0 : i32
      %dma_start3A_27 = tpu.memref_slice %arg7[%dma_start3A] : memref<2000xi32, #tpu.memory_space<vmem>> -> memref<1000xi32, #tpu.memory_space<vmem>>
      %dma_start3A_28 = arith.constant 0 : i32
      %dma_start3A_29 = arith.constant 0 : i32
      %dma_start3A_30 = tpu.memref_slice %arg4[%dma_start3A_28, %dma_start3A_29] : memref<50000x16xf32, #tpu.memory_space<hbm>> -> memref<50000x16xf32, #tpu.memory_space<hbm>>
      tpu.enqueue_indirect_dma source(%dma_start3A_30 : memref<50000x16xf32, #tpu.memory_space<hbm>>) target(%arg9 : memref<1000x16xf32, #tpu.memory_space<vmem>>) offsets(%dma_start3A_27 : memref<1000xi32, #tpu.memory_space<vmem>>) semaphore(%arg12 : memref<!tpu.dma_semaphore, #tpu.memory_space<semaphore_mem>>)
      %dma_start3A_31 = arith.constant 1000 : i32
      %dma_start3A_32 = tpu.memref_slice %arg7[%dma_start3A_31] : memref<2000xi32, #tpu.memory_space<vmem>> -> memref<1000xi32, #tpu.memory_space<vmem>>
      %dma_start3A_33 = arith.constant 0 : i32
      %dma_start3A_34 = arith.constant 0 : i32
      %dma_start3A_35 = tpu.memref_slice %arg4[%dma_start3A_33, %dma_start3A_34] : memref<50000x16xf32, #tpu.memory_space<hbm>> -> memref<50000x16xf32, #tpu.memory_space<hbm>>
      tpu.enqueue_indirect_dma source(%dma_start3A_35 : memref<50000x16xf32, #tpu.memory_space<hbm>>) target(%arg10 : memref<1000x16xf32, #tpu.memory_space<vmem>>) offsets(%dma_start3A_32 : memref<1000xi32, #tpu.memory_space<vmem>>) semaphore(%arg13 : memref<!tpu.dma_semaphore, #tpu.memory_space<semaphore_mem>>)
      %dma_wait3A_36 = arith.constant 0 : i32
      %dma_wait3A_37 = tpu.memref_slice %arg7[%dma_wait3A_36] : memref<2000xi32, #tpu.memory_space<vmem>> -> memref<1000xi32, #tpu.memory_space<vmem>>
      %dma_wait3A_38 = arith.constant 0 : i32
      %dma_wait3A_39 = arith.constant 0 : i32
      %dma_wait3A_40 = tpu.memref_slice %arg4[%dma_wait3A_38, %dma_wait3A_39] : memref<50000x16xf32, #tpu.memory_space<hbm>> -> memref<50000x16xf32, #tpu.memory_space<hbm>>
      tpu.wait_indirect_dma semaphore(%arg12 : memref<!tpu.dma_semaphore, #tpu.memory_space<semaphore_mem>>) src(%dma_wait3A_40 : memref<50000x16xf32, #tpu.memory_space<hbm>>) dst(%arg9 : memref<1000x16xf32, #tpu.memory_space<vmem>>)
      %dma_start3A_41 = arith.constant 0 : i32
      %dma_start3A_42 = tpu.memref_slice %arg8[%dma_start3A_41] : memref<2000xi32, #tpu.memory_space<vmem>> -> memref<1000xi32, #tpu.memory_space<vmem>>
      %dma_start3A_43 = arith.constant 0 : i32
      %dma_start3A_44 = arith.constant 0 : i32
      %dma_start3A_45 = tpu.memref_slice %arg11[%dma_start3A_43, %dma_start3A_44] : memref<50000x16xf32, #tpu.memory_space<vmem_shared>> -> memref<50000x16xf32, #tpu.memory_space<vmem_shared>>
      tpu.enqueue_indirect_dma source(%arg9 : memref<1000x16xf32, #tpu.memory_space<vmem>>) target(%dma_start3A_45 : memref<50000x16xf32, #tpu.memory_space<vmem_shared>>) offsets(%dma_start3A_42 : memref<1000xi32, #tpu.memory_space<vmem>>) semaphore(%arg14 : memref<!tpu.dma_semaphore, #tpu.memory_space<semaphore_mem>>) {add = true}
      %dma_wait3A_46 = arith.constant 1000 : i32
      %dma_wait3A_47 = tpu.memref_slice %arg7[%dma_wait3A_46] : memref<2000xi32, #tpu.memory_space<vmem>> -> memref<1000xi32, #tpu.memory_space<vmem>>
      %dma_wait3A_48 = arith.constant 0 : i32
      %dma_wait3A_49 = arith.constant 0 : i32
      %dma_wait3A_50 = tpu.memref_slice %arg4[%dma_wait3A_48, %dma_wait3A_49] : memref<50000x16xf32, #tpu.memory_space<hbm>> -> memref<50000x16xf32, #tpu.memory_space<hbm>>
      tpu.wait_indirect_dma semaphore(%arg13 : memref<!tpu.dma_semaphore, #tpu.memory_space<semaphore_mem>>) src(%dma_wait3A_50 : memref<50000x16xf32, #tpu.memory_space<hbm>>) dst(%arg10 : memref<1000x16xf32, #tpu.memory_space<vmem>>)
      %dma_start3A_51 = arith.constant 1000 : i32
      %dma_start3A_52 = tpu.memref_slice %arg8[%dma_start3A_51] : memref<2000xi32, #tpu.memory_space<vmem>> -> memref<1000xi32, #tpu.memory_space<vmem>>
      %dma_start3A_53 = arith.constant 0 : i32
      %dma_start3A_54 = arith.constant 0 : i32
      %dma_start3A_55 = tpu.memref_slice %arg11[%dma_start3A_53, %dma_start3A_54] : memref<50000x16xf32, #tpu.memory_space<vmem_shared>> -> memref<50000x16xf32, #tpu.memory_space<vmem_shared>>
      tpu.enqueue_indirect_dma source(%arg10 : memref<1000x16xf32, #tpu.memory_space<vmem>>) target(%dma_start3A_55 : memref<50000x16xf32, #tpu.memory_space<vmem_shared>>) offsets(%dma_start3A_52 : memref<1000xi32, #tpu.memory_space<vmem>>) semaphore(%arg15 : memref<!tpu.dma_semaphore, #tpu.memory_space<semaphore_mem>>) {add = true}
    }
    %scan3A_10 = arith.constant 25 : i32
    %dma_wait3A = arith.constant 0 : i32
    %dma_wait3A_11 = tpu.memref_slice %arg8[%dma_wait3A] : memref<2000xi32, #tpu.memory_space<vmem>> -> memref<1000xi32, #tpu.memory_space<vmem>>
    %dma_wait3A_12 = arith.constant 0 : i32
    %dma_wait3A_13 = arith.constant 0 : i32
    %dma_wait3A_14 = tpu.memref_slice %arg11[%dma_wait3A_12, %dma_wait3A_13] : memref<50000x16xf32, #tpu.memory_space<vmem_shared>> -> memref<50000x16xf32, #tpu.memory_space<vmem_shared>>
    tpu.wait_indirect_dma semaphore(%arg14 : memref<!tpu.dma_semaphore, #tpu.memory_space<semaphore_mem>>) src(%arg9 : memref<1000x16xf32, #tpu.memory_space<vmem>>) dst(%dma_wait3A_14 : memref<50000x16xf32, #tpu.memory_space<vmem_shared>>)
    %dma_wait3A_15 = arith.constant 1000 : i32
    %dma_wait3A_16 = tpu.memref_slice %arg8[%dma_wait3A_15] : memref<2000xi32, #tpu.memory_space<vmem>> -> memref<1000xi32, #tpu.memory_space<vmem>>
    %dma_wait3A_17 = arith.constant 0 : i32
    %dma_wait3A_18 = arith.constant 0 : i32
    %dma_wait3A_19 = tpu.memref_slice %arg11[%dma_wait3A_17, %dma_wait3A_18] : memref<50000x16xf32, #tpu.memory_space<vmem_shared>> -> memref<50000x16xf32, #tpu.memory_space<vmem_shared>>
    tpu.wait_indirect_dma semaphore(%arg15 : memref<!tpu.dma_semaphore, #tpu.memory_space<semaphore_mem>>) src(%arg10 : memref<1000x16xf32, #tpu.memory_space<vmem>>) dst(%dma_wait3A_19 : memref<50000x16xf32, #tpu.memory_space<vmem_shared>>)
    %barrier3A_20 = arith.constant 0 : index
    tpu.barrier barrier_id(%barrier3A_20)
    "tpu.region"() ({
      %run_scoped3A = tpu.sem_alloc : memref<!tpu.dma_semaphore, #tpu.memory_space<semaphore_mem>>
      %dma_start3A = arith.constant 0 : i32
      %dma_start3A_21 = tpu.memref_slice %arg6[%arg0, %min3A_3, %dma_start3A] : memref<2x50000x16xf32, #tpu.memory_space<hbm>> -> memref<1x3128x16xf32, #tpu.memory_space<hbm>>
      %dma_start3A_22 = tpu.memref_squeeze %dma_start3A_21 : memref<1x3128x16xf32, #tpu.memory_space<hbm>> -> memref<3128x16xf32, #tpu.memory_space<hbm>>
      %dma_start3A_23 = arith.constant 0 : i32
      %dma_start3A_24 = tpu.memref_slice %arg11[%min3A_3, %dma_start3A_23] : memref<50000x16xf32, #tpu.memory_space<vmem_shared>> -> memref<3128x16xf32, #tpu.memory_space<vmem_shared>>
      tpu.enqueue_dma source(%dma_start3A_24 : memref<3128x16xf32, #tpu.memory_space<vmem_shared>>) target(%dma_start3A_22 : memref<3128x16xf32, #tpu.memory_space<hbm>>) target_semaphore(%run_scoped3A : memref<!tpu.dma_semaphore, #tpu.memory_space<semaphore_mem>>)
      %dma_wait3A_25 = arith.constant 0 : i32
      %dma_wait3A_26 = tpu.memref_slice %arg6[%arg0, %min3A_3, %dma_wait3A_25] : memref<2x50000x16xf32, #tpu.memory_space<hbm>> -> memref<1x3128x16xf32, #tpu.memory_space<hbm>>
      %dma_wait3A_27 = tpu.memref_squeeze %dma_wait3A_26 : memref<1x3128x16xf32, #tpu.memory_space<hbm>> -> memref<3128x16xf32, #tpu.memory_space<hbm>>
      %dma_wait3A_28 = arith.constant 0 : i32
      %dma_wait3A_29 = tpu.memref_slice %arg11[%min3A_3, %dma_wait3A_28] : memref<50000x16xf32, #tpu.memory_space<vmem_shared>> -> memref<3128x16xf32, #tpu.memory_space<vmem_shared>>
      tpu.wait_dma2 semaphore(%run_scoped3A : memref<!tpu.dma_semaphore, #tpu.memory_space<semaphore_mem>>) src(%dma_wait3A_29 : memref<3128x16xf32, #tpu.memory_space<vmem_shared>>) dst(%dma_wait3A_27 : memref<3128x16xf32, #tpu.memory_space<hbm>>)
      tpu.yield
    }) : () -> ()
    return
  }
}

#map = affine_map<(d0, d1) -> (0)>
#map1 = affine_map<(d0, d1) -> (0, 0)>
#map2 = affine_map<(d0, d1) -> (0, 0, 0)>
module attributes {stable_mosaic.version = 14 : i64} {
  func.func @agg(%arg0: i32, %arg1: i32, %arg2: memref<1638400xi32, #tpu.memory_space<hbm>>, %arg3: memref<1638400xi32, #tpu.memory_space<hbm>>, %arg4: memref<50000x16xf32, #tpu.memory_space<hbm>>, %arg5: memref<3128x16xf32, #tpu.memory_space<hbm>>, %arg6: memref<2x50000x16xf32, #tpu.memory_space<hbm>>, %arg7: memref<2000xi32, #tpu.memory_space<vmem>>, %arg8: memref<2000xi32, #tpu.memory_space<vmem>>, %arg9: memref<1000x16xf32, #tpu.memory_space<vmem>>, %arg10: memref<1000x16xf32, #tpu.memory_space<vmem>>, %arg11: memref<50000x16xf32, #tpu.memory_space<vmem_shared>>, %arg12: memref<!tpu.dma_semaphore, #tpu.memory_space<semaphore_mem>>, %arg13: memref<!tpu.dma_semaphore, #tpu.memory_space<semaphore_mem>>, %arg14: memref<!tpu.dma_semaphore, #tpu.memory_space<semaphore_mem>>, %arg15: memref<!tpu.dma_semaphore, #tpu.memory_space<semaphore_mem>>) attributes {dimension_semantics = [#tpu.dimension_semantics<core_parallel>, #tpu.dimension_semantics<subcore_parallel>], iteration_bounds = array<i64: 2, 16>, scalar_prefetch = 0 : i64, scratch_operands = 9 : i64, tpu.core_type = #tpu.core_type<sc_vector_subcore>, window_params = [{transform_indices = #map}, {transform_indices = #map}, {transform_indices = #map1}, {transform_indices = #map1}, {transform_indices = #map2}]} {
    %mul3A = arith.constant 2 : i32
    %mul3A_0 = arith.muli %arg1, %mul3A : i32
    %add3A = arith.addi %mul3A_0, %arg0 : i32
    %mul3A_1 = arith.constant 3128 : i32
    %mul3A_2 = arith.muli %arg1, %mul3A_1 : i32
    %min3A = arith.constant 46872 : i32
    %min3A_3 = arith.minsi %mul3A_2, %min3A : i32
    "tpu.region"() ({
      %run_scoped3A = tpu.sem_alloc : memref<!tpu.dma_semaphore, #tpu.memory_space<semaphore_mem>>
      %dma_start3A = arith.constant 0 : i32
      %dma_start3A_21 = tpu.memref_slice %arg11[%min3A_3, %dma_start3A] : memref<50000x16xf32, #tpu.memory_space<vmem_shared>> -> memref<3128x16xf32, #tpu.memory_space<vmem_shared>>
      tpu.enqueue_dma source(%arg5 : memref<3128x16xf32, #tpu.memory_space<hbm>>) target(%dma_start3A_21 : memref<3128x16xf32, #tpu.memory_space<vmem_shared>>) target_semaphore(%run_scoped3A : memref<!tpu.dma_semaphore, #tpu.memory_space<semaphore_mem>>)
      %dma_wait3A_22 = arith.constant 0 : i32
      %dma_wait3A_23 = tpu.memref_slice %arg11[%min3A_3, %dma_wait3A_22] : memref<50000x16xf32, #tpu.memory_space<vmem_shared>> -> memref<3128x16xf32, #tpu.memory_space<vmem_shared>>
      tpu.wait_dma2 semaphore(%run_scoped3A : memref<!tpu.dma_semaphore, #tpu.memory_space<semaphore_mem>>) src(%arg5 : memref<3128x16xf32, #tpu.memory_space<hbm>>) dst(%dma_wait3A_23 : memref<3128x16xf32, #tpu.memory_space<vmem_shared>>)
      tpu.yield
    }) : () -> ()
    %barrier3A = arith.constant 0 : index
    tpu.barrier barrier_id(%barrier3A)
    %mul3A_4 = arith.constant 50000 : i32
    %mul3A_5 = arith.muli %add3A, %mul3A_4 : i32
    %scan3A = arith.constant 0 : i32
    %scan3A_6 = arith.constant 0 : i32
    %scan3A_7 = arith.constant 25 : i32
    %scan3A_8 = arith.addi %scan3A_6, %scan3A_7 : i32
    %scan3A_9 = arith.constant 1 : i32
    scf.for %scan3A_21 = %scan3A_6 to %scan3A_8 step %scan3A_9  : i32 {
      %gt3A = arith.constant 0 : i32
      %gt3A_22 = arith.cmpi sgt, %scan3A_21, %gt3A : i32
      %convert_element_type3A = arith.extui %gt3A_22 : i1 to i32
      %cond3A = arith.constant 0 : i32
      %cond3A_23 = arith.cmpi ne, %convert_element_type3A, %cond3A : i32
      scf.if %cond3A_23 {
        %dma_wait3A_56 = arith.constant 0 : i32
        %dma_wait3A_57 = tpu.memref_slice %arg8[%dma_wait3A_56] : memref<2000xi32, #tpu.memory_space<vmem>> -> memref<1000xi32, #tpu.memory_space<vmem>>
        %dma_wait3A_58 = arith.constant 0 : i32
        %dma_wait3A_59 = arith.constant 0 : i32
        %dma_wait3A_60 = tpu.memref_slice %arg11[%dma_wait3A_58, %dma_wait3A_59] : memref<50000x16xf32, #tpu.memory_space<vmem_shared>> -> memref<50000x16xf32, #tpu.memory_space<vmem_shared>>
        tpu.wait_indirect_dma semaphore(%arg14 : memref<!tpu.dma_semaphore, #tpu.memory_space<semaphore_mem>>) src(%arg9 : memref<1000x16xf32, #tpu.memory_space<vmem>>) dst(%dma_wait3A_60 : memref<50000x16xf32, #tpu.memory_space<vmem_shared>>)
        %dma_wait3A_61 = arith.constant 1000 : i32
        %dma_wait3A_62 = tpu.memref_slice %arg8[%dma_wait3A_61] : memref<2000xi32, #tpu.memory_space<vmem>> -> memref<1000xi32, #tpu.memory_space<vmem>>
        %dma_wait3A_63 = arith.constant 0 : i32
        %dma_wait3A_64 = arith.constant 0 : i32
        %dma_wait3A_65 = tpu.memref_slice %arg11[%dma_wait3A_63, %dma_wait3A_64] : memref<50000x16xf32, #tpu.memory_space<vmem_shared>> -> memref<50000x16xf32, #tpu.memory_space<vmem_shared>>
        tpu.wait_indirect_dma semaphore(%arg15 : memref<!tpu.dma_semaphore, #tpu.memory_space<semaphore_mem>>) src(%arg10 : memref<1000x16xf32, #tpu.memory_space<vmem>>) dst(%dma_wait3A_65 : memref<50000x16xf32, #tpu.memory_space<vmem_shared>>)
      } else {
      }
      %mul3A_24 = arith.constant 2000 : i32
      %mul3A_25 = arith.muli %scan3A_21, %mul3A_24 : i32
      %add3A_26 = arith.addi %mul3A_5, %mul3A_25 : i32
      "tpu.region"() ({
        %run_scoped3A = tpu.sem_alloc : memref<!tpu.dma_semaphore, #tpu.memory_space<semaphore_mem>>
        %dma_start3A_56 = tpu.memref_slice %arg2[%add3A_26] : memref<1638400xi32, #tpu.memory_space<hbm>> -> memref<2000xi32, #tpu.memory_space<hbm>>
        %dma_start3A_57 = tpu.memref_slice %arg2[%add3A_26] : memref<1638400xi32, #tpu.memory_space<hbm>> -> memref<2000xi32, #tpu.memory_space<hbm>>
        tpu.enqueue_dma source(%dma_start3A_57 : memref<2000xi32, #tpu.memory_space<hbm>>) target(%arg7 : memref<2000xi32, #tpu.memory_space<vmem>>) target_semaphore(%run_scoped3A : memref<!tpu.dma_semaphore, #tpu.memory_space<semaphore_mem>>)
        %dma_wait3A_58 = tpu.memref_slice %arg2[%add3A_26] : memref<1638400xi32, #tpu.memory_space<hbm>> -> memref<2000xi32, #tpu.memory_space<hbm>>
        %dma_wait3A_59 = tpu.memref_slice %arg2[%add3A_26] : memref<1638400xi32, #tpu.memory_space<hbm>> -> memref<2000xi32, #tpu.memory_space<hbm>>
        tpu.wait_dma2 semaphore(%run_scoped3A : memref<!tpu.dma_semaphore, #tpu.memory_space<semaphore_mem>>) src(%dma_wait3A_59 : memref<2000xi32, #tpu.memory_space<hbm>>) dst(%arg7 : memref<2000xi32, #tpu.memory_space<vmem>>)
        tpu.yield
      }) : () -> ()
      "tpu.region"() ({
        %run_scoped3A = tpu.sem_alloc : memref<!tpu.dma_semaphore, #tpu.memory_space<semaphore_mem>>
        %dma_start3A_56 = tpu.memref_slice %arg3[%add3A_26] : memref<1638400xi32, #tpu.memory_space<hbm>> -> memref<2000xi32, #tpu.memory_space<hbm>>
        %dma_start3A_57 = tpu.memref_slice %arg3[%add3A_26] : memref<1638400xi32, #tpu.memory_space<hbm>> -> memref<2000xi32, #tpu.memory_space<hbm>>
        tpu.enqueue_dma source(%dma_start3A_57 : memref<2000xi32, #tpu.memory_space<hbm>>) target(%arg8 : memref<2000xi32, #tpu.memory_space<vmem>>) target_semaphore(%run_scoped3A : memref<!tpu.dma_semaphore, #tpu.memory_space<semaphore_mem>>)
        %dma_wait3A_58 = tpu.memref_slice %arg3[%add3A_26] : memref<1638400xi32, #tpu.memory_space<hbm>> -> memref<2000xi32, #tpu.memory_space<hbm>>
        %dma_wait3A_59 = tpu.memref_slice %arg3[%add3A_26] : memref<1638400xi32, #tpu.memory_space<hbm>> -> memref<2000xi32, #tpu.memory_space<hbm>>
        tpu.wait_dma2 semaphore(%run_scoped3A : memref<!tpu.dma_semaphore, #tpu.memory_space<semaphore_mem>>) src(%dma_wait3A_59 : memref<2000xi32, #tpu.memory_space<hbm>>) dst(%arg8 : memref<2000xi32, #tpu.memory_space<vmem>>)
        tpu.yield
      }) : () -> ()
      %dma_start3A = arith.constant 0 : i32
      %dma_start3A_27 = tpu.memref_slice %arg7[%dma_start3A] : memref<2000xi32, #tpu.memory_space<vmem>> -> memref<1000xi32, #tpu.memory_space<vmem>>
      %dma_start3A_28 = arith.constant 0 : i32
      %dma_start3A_29 = arith.constant 0 : i32
      %dma_start3A_30 = tpu.memref_slice %arg4[%dma_start3A_28, %dma_start3A_29] : memref<50000x16xf32, #tpu.memory_space<hbm>> -> memref<50000x16xf32, #tpu.memory_space<hbm>>
      tpu.enqueue_indirect_dma source(%dma_start3A_30 : memref<50000x16xf32, #tpu.memory_space<hbm>>) target(%arg9 : memref<1000x16xf32, #tpu.memory_space<vmem>>) offsets(%dma_start3A_27 : memref<1000xi32, #tpu.memory_space<vmem>>) semaphore(%arg12 : memref<!tpu.dma_semaphore, #tpu.memory_space<semaphore_mem>>)
      %dma_start3A_31 = arith.constant 1000 : i32
      %dma_start3A_32 = tpu.memref_slice %arg7[%dma_start3A_31] : memref<2000xi32, #tpu.memory_space<vmem>> -> memref<1000xi32, #tpu.memory_space<vmem>>
      %dma_start3A_33 = arith.constant 0 : i32
      %dma_start3A_34 = arith.constant 0 : i32
      %dma_start3A_35 = tpu.memref_slice %arg4[%dma_start3A_33, %dma_start3A_34] : memref<50000x16xf32, #tpu.memory_space<hbm>> -> memref<50000x16xf32, #tpu.memory_space<hbm>>
      tpu.enqueue_indirect_dma source(%dma_start3A_35 : memref<50000x16xf32, #tpu.memory_space<hbm>>) target(%arg10 : memref<1000x16xf32, #tpu.memory_space<vmem>>) offsets(%dma_start3A_32 : memref<1000xi32, #tpu.memory_space<vmem>>) semaphore(%arg13 : memref<!tpu.dma_semaphore, #tpu.memory_space<semaphore_mem>>)
      %dma_wait3A_36 = arith.constant 0 : i32
      %dma_wait3A_37 = tpu.memref_slice %arg7[%dma_wait3A_36] : memref<2000xi32, #tpu.memory_space<vmem>> -> memref<1000xi32, #tpu.memory_space<vmem>>
      %dma_wait3A_38 = arith.constant 0 : i32
      %dma_wait3A_39 = arith.constant 0 : i32
      %dma_wait3A_40 = tpu.memref_slice %arg4[%dma_wait3A_38, %dma_wait3A_39] : memref<50000x16xf32, #tpu.memory_space<hbm>> -> memref<50000x16xf32, #tpu.memory_space<hbm>>
      tpu.wait_indirect_dma semaphore(%arg12 : memref<!tpu.dma_semaphore, #tpu.memory_space<semaphore_mem>>) src(%dma_wait3A_40 : memref<50000x16xf32, #tpu.memory_space<hbm>>) dst(%arg9 : memref<1000x16xf32, #tpu.memory_space<vmem>>)
      %dma_start3A_41 = arith.constant 0 : i32
      %dma_start3A_42 = tpu.memref_slice %arg8[%dma_start3A_41] : memref<2000xi32, #tpu.memory_space<vmem>> -> memref<1000xi32, #tpu.memory_space<vmem>>
      %dma_start3A_43 = arith.constant 0 : i32
      %dma_start3A_44 = arith.constant 0 : i32
      %dma_start3A_45 = tpu.memref_slice %arg11[%dma_start3A_43, %dma_start3A_44] : memref<50000x16xf32, #tpu.memory_space<vmem_shared>> -> memref<50000x16xf32, #tpu.memory_space<vmem_shared>>
      tpu.enqueue_indirect_dma source(%arg9 : memref<1000x16xf32, #tpu.memory_space<vmem>>) target(%dma_start3A_45 : memref<50000x16xf32, #tpu.memory_space<vmem_shared>>) offsets(%dma_start3A_42 : memref<1000xi32, #tpu.memory_space<vmem>>) semaphore(%arg14 : memref<!tpu.dma_semaphore, #tpu.memory_space<semaphore_mem>>) {add = true}
      %dma_wait3A_46 = arith.constant 1000 : i32
      %dma_wait3A_47 = tpu.memref_slice %arg7[%dma_wait3A_46] : memref<2000xi32, #tpu.memory_space<vmem>> -> memref<1000xi32, #tpu.memory_space<vmem>>
      %dma_wait3A_48 = arith.constant 0 : i32
      %dma_wait3A_49 = arith.constant 0 : i32
      %dma_wait3A_50 = tpu.memref_slice %arg4[%dma_wait3A_48, %dma_wait3A_49] : memref<50000x16xf32, #tpu.memory_space<hbm>> -> memref<50000x16xf32, #tpu.memory_space<hbm>>
      tpu.wait_indirect_dma semaphore(%arg13 : memref<!tpu.dma_semaphore, #tpu.memory_space<semaphore_mem>>) src(%dma_wait3A_50 : memref<50000x16xf32, #tpu.memory_space<hbm>>) dst(%arg10 : memref<1000x16xf32, #tpu.memory_space<vmem>>)
      %dma_start3A_51 = arith.constant 1000 : i32
      %dma_start3A_52 = tpu.memref_slice %arg8[%dma_start3A_51] : memref<2000xi32, #tpu.memory_space<vmem>> -> memref<1000xi32, #tpu.memory_space<vmem>>
      %dma_start3A_53 = arith.constant 0 : i32
      %dma_start3A_54 = arith.constant 0 : i32
      %dma_start3A_55 = tpu.memref_slice %arg11[%dma_start3A_53, %dma_start3A_54] : memref<50000x16xf32, #tpu.memory_space<vmem_shared>> -> memref<50000x16xf32, #tpu.memory_space<vmem_shared>>
      tpu.enqueue_indirect_dma source(%arg10 : memref<1000x16xf32, #tpu.memory_space<vmem>>) target(%dma_start3A_55 : memref<50000x16xf32, #tpu.memory_space<vmem_shared>>) offsets(%dma_start3A_52 : memref<1000xi32, #tpu.memory_space<vmem>>) semaphore(%arg15 : memref<!tpu.dma_semaphore, #tpu.memory_space<semaphore_mem>>) {add = true}
    }
    %scan3A_10 = arith.constant 25 : i32
    %dma_wait3A = arith.constant 0 : i32
    %dma_wait3A_11 = tpu.memref_slice %arg8[%dma_wait3A] : memref<2000xi32, #tpu.memory_space<vmem>> -> memref<1000xi32, #tpu.memory_space<vmem>>
    %dma_wait3A_12 = arith.constant 0 : i32
    %dma_wait3A_13 = arith.constant 0 : i32
    %dma_wait3A_14 = tpu.memref_slice %arg11[%dma_wait3A_12, %dma_wait3A_13] : memref<50000x16xf32, #tpu.memory_space<vmem_shared>> -> memref<50000x16xf32, #tpu.memory_space<vmem_shared>>
    tpu.wait_indirect_dma semaphore(%arg14 : memref<!tpu.dma_semaphore, #tpu.memory_space<semaphore_mem>>) src(%arg9 : memref<1000x16xf32, #tpu.memory_space<vmem>>) dst(%dma_wait3A_14 : memref<50000x16xf32, #tpu.memory_space<vmem_shared>>)
    %dma_wait3A_15 = arith.constant 1000 : i32
    %dma_wait3A_16 = tpu.memref_slice %arg8[%dma_wait3A_15] : memref<2000xi32, #tpu.memory_space<vmem>> -> memref<1000xi32, #tpu.memory_space<vmem>>
    %dma_wait3A_17 = arith.constant 0 : i32
    %dma_wait3A_18 = arith.constant 0 : i32
    %dma_wait3A_19 = tpu.memref_slice %arg11[%dma_wait3A_17, %dma_wait3A_18] : memref<50000x16xf32, #tpu.memory_space<vmem_shared>> -> memref<50000x16xf32, #tpu.memory_space<vmem_shared>>
    tpu.wait_indirect_dma semaphore(%arg15 : memref<!tpu.dma_semaphore, #tpu.memory_space<semaphore_mem>>) src(%arg10 : memref<1000x16xf32, #tpu.memory_space<vmem>>) dst(%dma_wait3A_19 : memref<50000x16xf32, #tpu.memory_space<vmem_shared>>)
    %barrier3A_20 = arith.constant 0 : index
    tpu.barrier barrier_id(%barrier3A_20)
    "tpu.region"() ({
      %run_scoped3A = tpu.sem_alloc : memref<!tpu.dma_semaphore, #tpu.memory_space<semaphore_mem>>
      %dma_start3A = arith.constant 0 : i32
      %dma_start3A_21 = tpu.memref_slice %arg6[%arg0, %min3A_3, %dma_start3A] : memref<2x50000x16xf32, #tpu.memory_space<hbm>> -> memref<1x3128x16xf32, #tpu.memory_space<hbm>>
      %dma_start3A_22 = tpu.memref_squeeze %dma_start3A_21 : memref<1x3128x16xf32, #tpu.memory_space<hbm>> -> memref<3128x16xf32, #tpu.memory_space<hbm>>
      %dma_start3A_23 = arith.constant 0 : i32
      %dma_start3A_24 = tpu.memref_slice %arg11[%min3A_3, %dma_start3A_23] : memref<50000x16xf32, #tpu.memory_space<vmem_shared>> -> memref<3128x16xf32, #tpu.memory_space<vmem_shared>>
      tpu.enqueue_dma source(%dma_start3A_24 : memref<3128x16xf32, #tpu.memory_space<vmem_shared>>) target(%dma_start3A_22 : memref<3128x16xf32, #tpu.memory_space<hbm>>) target_semaphore(%run_scoped3A : memref<!tpu.dma_semaphore, #tpu.memory_space<semaphore_mem>>)
      %dma_wait3A_25 = arith.constant 0 : i32
      %dma_wait3A_26 = tpu.memref_slice %arg6[%arg0, %min3A_3, %dma_wait3A_25] : memref<2x50000x16xf32, #tpu.memory_space<hbm>> -> memref<1x3128x16xf32, #tpu.memory_space<hbm>>
      %dma_wait3A_27 = tpu.memref_squeeze %dma_wait3A_26 : memref<1x3128x16xf32, #tpu.memory_space<hbm>> -> memref<3128x16xf32, #tpu.memory_space<hbm>>
      %dma_wait3A_28 = arith.constant 0 : i32
      %dma_wait3A_29 = tpu.memref_slice %arg11[%min3A_3, %dma_wait3A_28] : memref<50000x16xf32, #tpu.memory_space<vmem_shared>> -> memref<3128x16xf32, #tpu.memory_space<vmem_shared>>
      tpu.wait_dma2 semaphore(%run_scoped3A : memref<!tpu.dma_semaphore, #tpu.memory_space<semaphore_mem>>) src(%dma_wait3A_29 : memref<3128x16xf32, #tpu.memory_space<vmem_shared>>) dst(%dma_wait3A_27 : memref<3128x16xf32, #tpu.memory_space<hbm>>)
      tpu.yield
    }) : () -> ()
    return
  }
}

module attributes {stable_mosaic.version = 14 : i64} {
  func.func @body(%arg0: i32, %arg1: memref<216x1x6272xf32, #tpu.memory_space<vmem>>, %arg2: memref<20x108xf32, #tpu.memory_space<vmem>>, %arg3: memref<20x1xf32, #tpu.memory_space<vmem>>, %arg4: memref<20x20xf32, #tpu.memory_space<vmem>>, %arg5: memref<20x108xf32, #tpu.memory_space<vmem>>, %arg6: memref<20x1xf32, #tpu.memory_space<vmem>>, %arg7: memref<5x20xf32, #tpu.memory_space<vmem>>, %arg8: memref<5x1xf32, #tpu.memory_space<vmem>>, %arg9: memref<6272x16xf32, #tpu.memory_space<vmem>>) attributes {dimension_semantics = [#tpu.dimension_semantics<arbitrary>], iteration_bounds = array<i64: 8>, scalar_prefetch = 0 : i64, scratch_operands = 0 : i64, tpu.core_type = #tpu.core_type<tc>, window_params = [{transform_indices = @transform_0, window_bounds = array<i64: 216, 1, 6272>}, {pipeline_mode = #tpu.pipeline_mode<synchronous>, transform_indices = @transform_1, window_bounds = array<i64: 20, 108>}, {pipeline_mode = #tpu.pipeline_mode<synchronous>, transform_indices = @transform_2, window_bounds = array<i64: 20, 1>}, {pipeline_mode = #tpu.pipeline_mode<synchronous>, transform_indices = @transform_3, window_bounds = array<i64: 20, 20>}, {pipeline_mode = #tpu.pipeline_mode<synchronous>, transform_indices = @transform_4, window_bounds = array<i64: 20, 108>}, {pipeline_mode = #tpu.pipeline_mode<synchronous>, transform_indices = @transform_5, window_bounds = array<i64: 20, 1>}, {pipeline_mode = #tpu.pipeline_mode<synchronous>, transform_indices = @transform_6, window_bounds = array<i64: 5, 20>}, {pipeline_mode = #tpu.pipeline_mode<synchronous>, transform_indices = @transform_7, window_bounds = array<i64: 5, 1>}, {transform_indices = @transform_8, window_bounds = array<i64: 6272, 16>}]} {
    %get3A = arith.constant 0 : index
    %get3A_0 = arith.constant 0 : index
    %get3A_1 = arith.constant 0 : index
    %get3A_2 = vector.load %arg1[%get3A, %get3A_0, %get3A_1] : memref<216x1x6272xf32, #tpu.memory_space<vmem>>, vector<108x1x6272xf32>
    %get3A_3 = vector.shape_cast %get3A_2 : vector<108x1x6272xf32> to vector<108x6272xf32>
    %get3A_4 = arith.constant 0 : index
    %get3A_5 = arith.constant 0 : index
    %get3A_6 = vector.load %arg2[%get3A_4, %get3A_5] : memref<20x108xf32, #tpu.memory_space<vmem>>, vector<20x108xf32>
    %dot_general3A = arith.constant dense<0.000000e+00> : vector<20x6272xf32>
    %dot_general3A_7 = tpu.matmul %get3A_6, %get3A_3, %dot_general3A {dimension_numbers = #tpu.dot_dimension_numbers<[1], [0], [0], [1], [0, 0, 1, 1], [], []>, transpose_lhs_hint = false} : vector<20x108xf32>, vector<108x6272xf32>, vector<20x6272xf32> -> vector<20x6272xf32>
    %get3A_8 = arith.constant 0 : index
    %get3A_9 = arith.constant 0 : index
    %get3A_10 = vector.load %arg3[%get3A_8, %get3A_9] : memref<20x1xf32, #tpu.memory_space<vmem>>, vector<20x1xf32>
    %add3A = vector.broadcast %get3A_10 : vector<20x1xf32> to vector<20x6272xf32>
    %add3A_11 = arith.addf %dot_general3A_7, %add3A : vector<20x6272xf32>
    %max3A = arith.constant 0.000000e+00 : f32
    %max3A_12 = vector.broadcast %max3A : f32 to vector<20x6272xf32>
    %max3A_13 = arith.maximumf %add3A_11, %max3A_12 : vector<20x6272xf32>
    %get3A_14 = arith.constant 0 : index
    %get3A_15 = arith.constant 0 : index
    %get3A_16 = vector.load %arg4[%get3A_14, %get3A_15] : memref<20x20xf32, #tpu.memory_space<vmem>>, vector<20x20xf32>
    %dot_general3A_17 = arith.constant dense<0.000000e+00> : vector<20x6272xf32>
    %dot_general3A_18 = tpu.matmul %get3A_16, %max3A_13, %dot_general3A_17 {dimension_numbers = #tpu.dot_dimension_numbers<[1], [0], [0], [1], [0, 0, 1, 1], [], []>, transpose_lhs_hint = false} : vector<20x20xf32>, vector<20x6272xf32>, vector<20x6272xf32> -> vector<20x6272xf32>
    %get3A_19 = arith.constant 0 : index
    %get3A_20 = arith.constant 0 : index
    %get3A_21 = vector.load %arg5[%get3A_19, %get3A_20] : memref<20x108xf32, #tpu.memory_space<vmem>>, vector<20x108xf32>
    %dot_general3A_22 = arith.constant dense<0.000000e+00> : vector<20x6272xf32>
    %dot_general3A_23 = tpu.matmul %get3A_21, %get3A_3, %dot_general3A_22 {dimension_numbers = #tpu.dot_dimension_numbers<[1], [0], [0], [1], [0, 0, 1, 1], [], []>, transpose_lhs_hint = false} : vector<20x108xf32>, vector<108x6272xf32>, vector<20x6272xf32> -> vector<20x6272xf32>
    %add3A_24 = arith.addf %dot_general3A_18, %dot_general3A_23 : vector<20x6272xf32>
    %get3A_25 = arith.constant 0 : index
    %get3A_26 = arith.constant 0 : index
    %get3A_27 = vector.load %arg6[%get3A_25, %get3A_26] : memref<20x1xf32, #tpu.memory_space<vmem>>, vector<20x1xf32>
    %add3A_28 = vector.broadcast %get3A_27 : vector<20x1xf32> to vector<20x6272xf32>
    %add3A_29 = arith.addf %add3A_24, %add3A_28 : vector<20x6272xf32>
    %max3A_30 = arith.constant 0.000000e+00 : f32
    %max3A_31 = vector.broadcast %max3A_30 : f32 to vector<20x6272xf32>
    %max3A_32 = arith.maximumf %add3A_29, %max3A_31 : vector<20x6272xf32>
    %get3A_33 = arith.constant 0 : index
    %get3A_34 = arith.constant 0 : index
    %get3A_35 = vector.load %arg7[%get3A_33, %get3A_34] : memref<5x20xf32, #tpu.memory_space<vmem>>, vector<5x20xf32>
    %dot_general3A_36 = arith.constant dense<0.000000e+00> : vector<5x6272xf32>
    %dot_general3A_37 = tpu.matmul %get3A_35, %max3A_32, %dot_general3A_36 {dimension_numbers = #tpu.dot_dimension_numbers<[1], [0], [0], [1], [0, 0, 1, 1], [], []>, transpose_lhs_hint = false} : vector<5x20xf32>, vector<20x6272xf32>, vector<5x6272xf32> -> vector<5x6272xf32>
    %get3A_38 = arith.constant 0 : index
    %get3A_39 = arith.constant 0 : index
    %get3A_40 = vector.load %arg8[%get3A_38, %get3A_39] : memref<5x1xf32, #tpu.memory_space<vmem>>, vector<5x1xf32>
    %add3A_41 = vector.broadcast %get3A_40 : vector<5x1xf32> to vector<5x6272xf32>
    %add3A_42 = arith.addf %dot_general3A_37, %add3A_41 : vector<5x6272xf32>
    %get3A_43 = arith.constant 108 : index
    %get3A_44 = arith.constant 0 : index
    %get3A_45 = arith.constant 0 : index
    %get3A_46 = vector.load %arg1[%get3A_43, %get3A_44, %get3A_45] : memref<216x1x6272xf32, #tpu.memory_space<vmem>>, vector<108x1x6272xf32>
    %get3A_47 = vector.shape_cast %get3A_46 : vector<108x1x6272xf32> to vector<108x6272xf32>
    %get3A_48 = arith.constant 0 : index
    %get3A_49 = arith.constant 0 : index
    %get3A_50 = vector.load %arg2[%get3A_48, %get3A_49] : memref<20x108xf32, #tpu.memory_space<vmem>>, vector<20x108xf32>
    %dot_general3A_51 = arith.constant dense<0.000000e+00> : vector<20x6272xf32>
    %dot_general3A_52 = tpu.matmul %get3A_50, %get3A_47, %dot_general3A_51 {dimension_numbers = #tpu.dot_dimension_numbers<[1], [0], [0], [1], [0, 0, 1, 1], [], []>, transpose_lhs_hint = false} : vector<20x108xf32>, vector<108x6272xf32>, vector<20x6272xf32> -> vector<20x6272xf32>
    %get3A_53 = arith.constant 0 : index
    %get3A_54 = arith.constant 0 : index
    %get3A_55 = vector.load %arg3[%get3A_53, %get3A_54] : memref<20x1xf32, #tpu.memory_space<vmem>>, vector<20x1xf32>
    %add3A_56 = vector.broadcast %get3A_55 : vector<20x1xf32> to vector<20x6272xf32>
    %add3A_57 = arith.addf %dot_general3A_52, %add3A_56 : vector<20x6272xf32>
    %max3A_58 = arith.constant 0.000000e+00 : f32
    %max3A_59 = vector.broadcast %max3A_58 : f32 to vector<20x6272xf32>
    %max3A_60 = arith.maximumf %add3A_57, %max3A_59 : vector<20x6272xf32>
    %get3A_61 = arith.constant 0 : index
    %get3A_62 = arith.constant 0 : index
    %get3A_63 = vector.load %arg4[%get3A_61, %get3A_62] : memref<20x20xf32, #tpu.memory_space<vmem>>, vector<20x20xf32>
    %dot_general3A_64 = arith.constant dense<0.000000e+00> : vector<20x6272xf32>
    %dot_general3A_65 = tpu.matmul %get3A_63, %max3A_60, %dot_general3A_64 {dimension_numbers = #tpu.dot_dimension_numbers<[1], [0], [0], [1], [0, 0, 1, 1], [], []>, transpose_lhs_hint = false} : vector<20x20xf32>, vector<20x6272xf32>, vector<20x6272xf32> -> vector<20x6272xf32>
    %get3A_66 = arith.constant 0 : index
    %get3A_67 = arith.constant 0 : index
    %get3A_68 = vector.load %arg5[%get3A_66, %get3A_67] : memref<20x108xf32, #tpu.memory_space<vmem>>, vector<20x108xf32>
    %dot_general3A_69 = arith.constant dense<0.000000e+00> : vector<20x6272xf32>
    %dot_general3A_70 = tpu.matmul %get3A_68, %get3A_47, %dot_general3A_69 {dimension_numbers = #tpu.dot_dimension_numbers<[1], [0], [0], [1], [0, 0, 1, 1], [], []>, transpose_lhs_hint = false} : vector<20x108xf32>, vector<108x6272xf32>, vector<20x6272xf32> -> vector<20x6272xf32>
    %add3A_71 = arith.addf %dot_general3A_65, %dot_general3A_70 : vector<20x6272xf32>
    %get3A_72 = arith.constant 0 : index
    %get3A_73 = arith.constant 0 : index
    %get3A_74 = vector.load %arg6[%get3A_72, %get3A_73] : memref<20x1xf32, #tpu.memory_space<vmem>>, vector<20x1xf32>
    %add3A_75 = vector.broadcast %get3A_74 : vector<20x1xf32> to vector<20x6272xf32>
    %add3A_76 = arith.addf %add3A_71, %add3A_75 : vector<20x6272xf32>
    %max3A_77 = arith.constant 0.000000e+00 : f32
    %max3A_78 = vector.broadcast %max3A_77 : f32 to vector<20x6272xf32>
    %max3A_79 = arith.maximumf %add3A_76, %max3A_78 : vector<20x6272xf32>
    %get3A_80 = arith.constant 0 : index
    %get3A_81 = arith.constant 0 : index
    %get3A_82 = vector.load %arg7[%get3A_80, %get3A_81] : memref<5x20xf32, #tpu.memory_space<vmem>>, vector<5x20xf32>
    %dot_general3A_83 = arith.constant dense<0.000000e+00> : vector<5x6272xf32>
    %dot_general3A_84 = tpu.matmul %get3A_82, %max3A_79, %dot_general3A_83 {dimension_numbers = #tpu.dot_dimension_numbers<[1], [0], [0], [1], [0, 0, 1, 1], [], []>, transpose_lhs_hint = false} : vector<5x20xf32>, vector<20x6272xf32>, vector<5x6272xf32> -> vector<5x6272xf32>
    %get3A_85 = arith.constant 0 : index
    %get3A_86 = arith.constant 0 : index
    %get3A_87 = vector.load %arg8[%get3A_85, %get3A_86] : memref<5x1xf32, #tpu.memory_space<vmem>>, vector<5x1xf32>
    %add3A_88 = vector.broadcast %get3A_87 : vector<5x1xf32> to vector<5x6272xf32>
    %add3A_89 = arith.addf %dot_general3A_84, %add3A_88 : vector<5x6272xf32>
    %broadcast_in_dim3A = arith.constant 1.000000e+00 : f32
    %broadcast_in_dim3A_90 = vector.broadcast %broadcast_in_dim3A : f32 to vector<1x6272xf32>
    %broadcast_in_dim3A_91 = arith.constant 0.000000e+00 : f32
    %broadcast_in_dim3A_92 = vector.broadcast %broadcast_in_dim3A_91 : f32 to vector<5x6272xf32>
    %concatenate3A = tpu.concatenate %add3A_42, %add3A_89, %broadcast_in_dim3A_90, %broadcast_in_dim3A_92 in 0 : vector<5x6272xf32>, vector<5x6272xf32>, vector<1x6272xf32>, vector<5x6272xf32> -> vector<16x6272xf32>
    %transpose3A = tpu.transpose %concatenate3A, [1, 0] : vector<16x6272xf32> -> vector<6272x16xf32>
    %swap3A = arith.constant 0 : index
    %swap3A_93 = arith.constant 0 : index
    %swap3A_94 = vector.load %arg9[%swap3A, %swap3A_93] : memref<6272x16xf32, #tpu.memory_space<vmem>>, vector<6272x16xf32>
    tpu.vector_store %arg9[%swap3A, %swap3A_93], %transpose3A {strides = array<i32>} : memref<6272x16xf32, #tpu.memory_space<vmem>>, vector<6272x16xf32>,
    return
  }
  func.func @transform_0(%arg0: i32) -> (i32, i32, i32) {
    %c0_i32 = arith.constant 0 : i32
    %c0_i32_0 = arith.constant 0 : i32
    %c0_i32_1 = arith.constant 0 : i32
    return %c0_i32, %c0_i32_0, %arg0 : i32, i32, i32
  }
  func.func @transform_1(%arg0: i32) -> (i32, i32) {
    %c0_i32 = arith.constant 0 : i32
    %c0_i32_0 = arith.constant 0 : i32
    %c0_i32_1 = arith.constant 0 : i32
    return %c0_i32, %c0_i32_0 : i32, i32
  }
  func.func @transform_2(%arg0: i32) -> (i32, i32) {
    %c0_i32 = arith.constant 0 : i32
    %c0_i32_0 = arith.constant 0 : i32
    %c0_i32_1 = arith.constant 0 : i32
    return %c0_i32, %c0_i32_0 : i32, i32
  }
  func.func @transform_3(%arg0: i32) -> (i32, i32) {
    %c0_i32 = arith.constant 0 : i32
    %c0_i32_0 = arith.constant 0 : i32
    %c0_i32_1 = arith.constant 0 : i32
    return %c0_i32, %c0_i32_0 : i32, i32
  }
  func.func @transform_4(%arg0: i32) -> (i32, i32) {
    %c0_i32 = arith.constant 0 : i32
    %c0_i32_0 = arith.constant 0 : i32
    %c0_i32_1 = arith.constant 0 : i32
    return %c0_i32, %c0_i32_0 : i32, i32
  }
  func.func @transform_5(%arg0: i32) -> (i32, i32) {
    %c0_i32 = arith.constant 0 : i32
    %c0_i32_0 = arith.constant 0 : i32
    %c0_i32_1 = arith.constant 0 : i32
    return %c0_i32, %c0_i32_0 : i32, i32
  }
  func.func @transform_6(%arg0: i32) -> (i32, i32) {
    %c0_i32 = arith.constant 0 : i32
    %c0_i32_0 = arith.constant 0 : i32
    %c0_i32_1 = arith.constant 0 : i32
    return %c0_i32, %c0_i32_0 : i32, i32
  }
  func.func @transform_7(%arg0: i32) -> (i32, i32) {
    %c0_i32 = arith.constant 0 : i32
    %c0_i32_0 = arith.constant 0 : i32
    %c0_i32_1 = arith.constant 0 : i32
    return %c0_i32, %c0_i32_0 : i32, i32
  }
  func.func @transform_8(%arg0: i32) -> (i32, i32) {
    %c0_i32 = arith.constant 0 : i32
    %c0_i32_0 = arith.constant 0 : i32
    return %arg0, %c0_i32 : i32, i32
  }
}

module attributes {stable_mosaic.version = 14 : i64} {
  func.func @body(%arg0: i32, %arg1: memref<2x65536xi32, #tpu.memory_space<vmem>>, %arg2: memref<65536xi32, #tpu.memory_space<vmem>>, %arg3: memref<65536xi32, #tpu.memory_space<vmem>>) attributes {dimension_semantics = [#tpu.dimension_semantics<arbitrary>], iteration_bounds = array<i64: 25>, scalar_prefetch = 0 : i64, scratch_operands = 0 : i64, tpu.core_type = #tpu.core_type<tc>, window_params = [{transform_indices = @transform_0, window_bounds = array<i64: 2, 65536>}, {transform_indices = @transform_1, window_bounds = array<i64: 65536>}, {transform_indices = @transform_2, window_bounds = array<i64: 65536>}]} {
    %get3A = arith.constant 0 : index
    %get3A_0 = arith.constant 0 : index
    %get3A_1 = vector.load %arg1[%get3A, %get3A_0] : memref<2x65536xi32, #tpu.memory_space<vmem>>, vector<1x65536xi32>
    %get3A_2 = vector.shape_cast %get3A_1 : vector<1x65536xi32> to vector<65536xi32>
    %swap3A = arith.constant 0 : index
    %swap3A_3 = vector.load %arg2[%swap3A] : memref<65536xi32, #tpu.memory_space<vmem>>, vector<65536xi32>
    tpu.vector_store %arg2[%swap3A], %get3A_2 {strides = array<i32>} : memref<65536xi32, #tpu.memory_space<vmem>>, vector<65536xi32>,
    %get3A_4 = arith.constant 1 : index
    %get3A_5 = arith.constant 0 : index
    %get3A_6 = vector.load %arg1[%get3A_4, %get3A_5] : memref<2x65536xi32, #tpu.memory_space<vmem>>, vector<1x65536xi32>
    %get3A_7 = vector.shape_cast %get3A_6 : vector<1x65536xi32> to vector<65536xi32>
    %swap3A_8 = arith.constant 0 : index
    %swap3A_9 = vector.load %arg3[%swap3A_8] : memref<65536xi32, #tpu.memory_space<vmem>>, vector<65536xi32>
    tpu.vector_store %arg3[%swap3A_8], %get3A_7 {strides = array<i32>} : memref<65536xi32, #tpu.memory_space<vmem>>, vector<65536xi32>,
    return
  }
  func.func @transform_0(%arg0: i32) -> (i32, i32) {
    %c0_i32 = arith.constant 0 : i32
    %c0_i32_0 = arith.constant 0 : i32
    return %c0_i32, %arg0 : i32, i32
  }
  func.func @transform_1(%arg0: i32) -> i32 {
    %c0_i32 = arith.constant 0 : i32
    return %arg0 : i32
  }
  func.func @transform_2(%arg0: i32) -> i32 {
    %c0_i32 = arith.constant 0 : i32
    return %arg0 : i32
  }
}

module attributes {stable_mosaic.version = 14 : i64} {
  func.func @body(%arg0: i32, %arg1: memref<2x6250x128xf32, #tpu.memory_space<vmem>>, %arg2: memref<6250x128xf32, #tpu.memory_space<vmem>>, %arg3: memref<128x128xf32, #tpu.memory_space<vmem>>, %arg4: memref<128x128xf32, #tpu.memory_space<vmem>>, %arg5: memref<128x128xf32, #tpu.memory_space<vmem>>, %arg6: memref<1x128xf32, #tpu.memory_space<vmem>>, %arg7: memref<1x128xf32, #tpu.memory_space<vmem>>, %arg8: memref<6250x128xf32, #tpu.memory_space<vmem>>) attributes {dimension_semantics = [#tpu.dimension_semantics<arbitrary>], iteration_bounds = array<i64: 1>, scalar_prefetch = 0 : i64, scratch_operands = 0 : i64, tpu.core_type = #tpu.core_type<tc>, window_params = [{transform_indices = @transform_0, window_bounds = array<i64: 2, 6250, 128>}, {transform_indices = @transform_1, window_bounds = array<i64: 6250, 128>}, {pipeline_mode = #tpu.pipeline_mode<synchronous>, transform_indices = @transform_2, window_bounds = array<i64: 128, 128>}, {pipeline_mode = #tpu.pipeline_mode<synchronous>, transform_indices = @transform_3, window_bounds = array<i64: 128, 128>}, {pipeline_mode = #tpu.pipeline_mode<synchronous>, transform_indices = @transform_4, window_bounds = array<i64: 128, 128>}, {pipeline_mode = #tpu.pipeline_mode<synchronous>, transform_indices = @transform_5, window_bounds = array<i64: 1, 128>}, {pipeline_mode = #tpu.pipeline_mode<synchronous>, transform_indices = @transform_6, window_bounds = array<i64: 1, 128>}, {transform_indices = @transform_7, window_bounds = array<i64: 6250, 128>}]} {
    %get3A = arith.constant 0 : index
    %get3A_0 = arith.constant 0 : index
    %get3A_1 = arith.constant 0 : index
    %get3A_2 = vector.load %arg1[%get3A, %get3A_0, %get3A_1] : memref<2x6250x128xf32, #tpu.memory_space<vmem>>, vector<1x6250x128xf32>
    %get3A_3 = vector.shape_cast %get3A_2 : vector<1x6250x128xf32> to vector<6250x128xf32>
    %get3A_4 = arith.constant 1 : index
    %get3A_5 = arith.constant 0 : index
    %get3A_6 = arith.constant 0 : index
    %get3A_7 = vector.load %arg1[%get3A_4, %get3A_5, %get3A_6] : memref<2x6250x128xf32, #tpu.memory_space<vmem>>, vector<1x6250x128xf32>
    %get3A_8 = vector.shape_cast %get3A_7 : vector<1x6250x128xf32> to vector<6250x128xf32>
    %add3A = arith.addf %get3A_3, %get3A_8 : vector<6250x128xf32>
    %get3A_9 = arith.constant 0 : index
    %get3A_10 = arith.constant 0 : index
    %get3A_11 = vector.load %arg5[%get3A_9, %get3A_10] : memref<128x128xf32, #tpu.memory_space<vmem>>, vector<128x128xf32>
    %dot_general3A = arith.constant dense<0.000000e+00> : vector<6250x128xf32>
    %dot_general3A_12 = tpu.matmul %add3A, %get3A_11, %dot_general3A {dimension_numbers = #tpu.dot_dimension_numbers<[1], [0], [0], [1], [0, 0, 1, 1], [], []>, precision = #tpu.contract_precision<fp32>, transpose_lhs_hint = false} : vector<6250x128xf32>, vector<128x128xf32>, vector<6250x128xf32> -> vector<6250x128xf32>
    %max3A = arith.constant 1.000000e+00 : f32
    %max3A_13 = vector.broadcast %max3A : f32 to vector<6250x128xf32>
    %max3A_14 = arith.maximumf %dot_general3A_12, %max3A_13 : vector<6250x128xf32>
    %div3A = arith.constant 1.000000e+00 : f32
    %div3A_15 = vector.broadcast %div3A : f32 to vector<6250x128xf32>
    %div3A_16 = arith.divf %div3A_15, %max3A_14 : vector<6250x128xf32>
    %get3A_17 = arith.constant 0 : index
    %get3A_18 = arith.constant 0 : index
    %get3A_19 = vector.load %arg3[%get3A_17, %get3A_18] : memref<128x128xf32, #tpu.memory_space<vmem>>, vector<128x128xf32>
    %dot_general3A_20 = arith.constant dense<0.000000e+00> : vector<6250x128xf32>
    %dot_general3A_21 = tpu.matmul %add3A, %get3A_19, %dot_general3A_20 {dimension_numbers = #tpu.dot_dimension_numbers<[1], [0], [0], [1], [0, 0, 1, 1], [], []>, precision = #tpu.contract_precision<fp32>, transpose_lhs_hint = false} : vector<6250x128xf32>, vector<128x128xf32>, vector<6250x128xf32> -> vector<6250x128xf32>
    %mul3A = arith.mulf %dot_general3A_21, %div3A_16 : vector<6250x128xf32>
    %get3A_22 = arith.constant 0 : index
    %get3A_23 = arith.constant 0 : index
    %get3A_24 = vector.load %arg2[%get3A_22, %get3A_23] : memref<6250x128xf32, #tpu.memory_space<vmem>>, vector<6250x128xf32>
    %get3A_25 = arith.constant 0 : index
    %get3A_26 = arith.constant 0 : index
    %get3A_27 = vector.load %arg4[%get3A_25, %get3A_26] : memref<128x128xf32, #tpu.memory_space<vmem>>, vector<128x128xf32>
    %dot_general3A_28 = arith.constant dense<0.000000e+00> : vector<6250x128xf32>
    %dot_general3A_29 = tpu.matmul %get3A_24, %get3A_27, %dot_general3A_28 {dimension_numbers = #tpu.dot_dimension_numbers<[1], [0], [0], [1], [0, 0, 1, 1], [], []>, precision = #tpu.contract_precision<fp32>, transpose_lhs_hint = false} : vector<6250x128xf32>, vector<128x128xf32>, vector<6250x128xf32> -> vector<6250x128xf32>
    %add3A_30 = arith.addf %mul3A, %dot_general3A_29 : vector<6250x128xf32>
    %get3A_31 = arith.constant 0 : index
    %get3A_32 = arith.constant 0 : index
    %get3A_33 = vector.load %arg6[%get3A_31, %get3A_32] : memref<1x128xf32, #tpu.memory_space<vmem>>, vector<1x128xf32>
    %add3A_34 = vector.broadcast %get3A_33 : vector<1x128xf32> to vector<6250x128xf32>
    %add3A_35 = arith.addf %add3A_30, %add3A_34 : vector<6250x128xf32>
    %get3A_36 = arith.constant 0 : index
    %get3A_37 = arith.constant 0 : index
    %get3A_38 = vector.load %arg7[%get3A_36, %get3A_37] : memref<1x128xf32, #tpu.memory_space<vmem>>, vector<1x128xf32>
    %mul3A_39 = vector.broadcast %get3A_38 : vector<1x128xf32> to vector<6250x128xf32>
    %mul3A_40 = arith.mulf %div3A_16, %mul3A_39 : vector<6250x128xf32>
    %add3A_41 = arith.addf %add3A_35, %mul3A_40 : vector<6250x128xf32>
    %swap3A = arith.constant 0 : index
    %swap3A_42 = arith.constant 0 : index
    %swap3A_43 = vector.load %arg8[%swap3A, %swap3A_42] : memref<6250x128xf32, #tpu.memory_space<vmem>>, vector<6250x128xf32>
    tpu.vector_store %arg8[%swap3A, %swap3A_42], %add3A_41 {strides = array<i32>} : memref<6250x128xf32, #tpu.memory_space<vmem>>, vector<6250x128xf32>,
    return
  }
  func.func @transform_0(%arg0: i32) -> (i32, i32, i32) {
    %c0_i32 = arith.constant 0 : i32
    %c0_i32_0 = arith.constant 0 : i32
    %c0_i32_1 = arith.constant 0 : i32
    return %c0_i32, %arg0, %c0_i32_0 : i32, i32, i32
  }
  func.func @transform_1(%arg0: i32) -> (i32, i32) {
    %c0_i32 = arith.constant 0 : i32
    %c0_i32_0 = arith.constant 0 : i32
    return %arg0, %c0_i32 : i32, i32
  }
  func.func @transform_2(%arg0: i32) -> (i32, i32) {
    %c0_i32 = arith.constant 0 : i32
    %c0_i32_0 = arith.constant 0 : i32
    %c0_i32_1 = arith.constant 0 : i32
    return %c0_i32, %c0_i32_0 : i32, i32
  }
  func.func @transform_3(%arg0: i32) -> (i32, i32) {
    %c0_i32 = arith.constant 0 : i32
    %c0_i32_0 = arith.constant 0 : i32
    %c0_i32_1 = arith.constant 0 : i32
    return %c0_i32, %c0_i32_0 : i32, i32
  }
  func.func @transform_4(%arg0: i32) -> (i32, i32) {
    %c0_i32 = arith.constant 0 : i32
    %c0_i32_0 = arith.constant 0 : i32
    %c0_i32_1 = arith.constant 0 : i32
    return %c0_i32, %c0_i32_0 : i32, i32
  }
  func.func @transform_5(%arg0: i32) -> (i32, i32) {
    %c0_i32 = arith.constant 0 : i32
    %c0_i32_0 = arith.constant 0 : i32
    %c0_i32_1 = arith.constant 0 : i32
    return %c0_i32, %c0_i32_0 : i32, i32
  }
  func.func @transform_6(%arg0: i32) -> (i32, i32) {
    %c0_i32 = arith.constant 0 : i32
    %c0_i32_0 = arith.constant 0 : i32
    %c0_i32_1 = arith.constant 0 : i32
    return %c0_i32, %c0_i32_0 : i32, i32
  }
  func.func @transform_7(%arg0: i32) -> (i32, i32) {
    %c0_i32 = arith.constant 0 : i32
    %c0_i32_0 = arith.constant 0 : i32
    return %arg0, %c0_i32 : i32, i32
  }
}

module attributes {stable_mosaic.version = 14 : i64} {
  func.func @body(%arg0: i32, %arg1: memref<2x6250x128xf32, #tpu.memory_space<vmem>>, %arg2: memref<6250x128xf32, #tpu.memory_space<vmem>>, %arg3: memref<128x128xf32, #tpu.memory_space<vmem>>, %arg4: memref<128x128xf32, #tpu.memory_space<vmem>>, %arg5: memref<1x128xf32, #tpu.memory_space<vmem>>, %arg6: memref<6250x128xf32, #tpu.memory_space<vmem>>) attributes {dimension_semantics = [#tpu.dimension_semantics<arbitrary>], iteration_bounds = array<i64: 1>, scalar_prefetch = 0 : i64, scratch_operands = 0 : i64, tpu.core_type = #tpu.core_type<tc>, window_params = [{transform_indices = @transform_0, window_bounds = array<i64: 2, 6250, 128>}, {transform_indices = @transform_1, window_bounds = array<i64: 6250, 128>}, {pipeline_mode = #tpu.pipeline_mode<synchronous>, transform_indices = @transform_2, window_bounds = array<i64: 128, 128>}, {pipeline_mode = #tpu.pipeline_mode<synchronous>, transform_indices = @transform_3, window_bounds = array<i64: 128, 128>}, {pipeline_mode = #tpu.pipeline_mode<synchronous>, transform_indices = @transform_4, window_bounds = array<i64: 1, 128>}, {transform_indices = @transform_5, window_bounds = array<i64: 6250, 128>}]} {
    %get3A = arith.constant 0 : index
    %get3A_0 = arith.constant 0 : index
    %get3A_1 = arith.constant 0 : index
    %get3A_2 = vector.load %arg1[%get3A, %get3A_0, %get3A_1] : memref<2x6250x128xf32, #tpu.memory_space<vmem>>, vector<1x6250x128xf32>
    %get3A_3 = vector.shape_cast %get3A_2 : vector<1x6250x128xf32> to vector<6250x128xf32>
    %get3A_4 = arith.constant 1 : index
    %get3A_5 = arith.constant 0 : index
    %get3A_6 = arith.constant 0 : index
    %get3A_7 = vector.load %arg1[%get3A_4, %get3A_5, %get3A_6] : memref<2x6250x128xf32, #tpu.memory_space<vmem>>, vector<1x6250x128xf32>
    %get3A_8 = vector.shape_cast %get3A_7 : vector<1x6250x128xf32> to vector<6250x128xf32>
    %add3A = arith.addf %get3A_3, %get3A_8 : vector<6250x128xf32>
    %get3A_9 = arith.constant 0 : index
    %get3A_10 = arith.constant 0 : index
    %get3A_11 = vector.load %arg2[%get3A_9, %get3A_10] : memref<6250x128xf32, #tpu.memory_space<vmem>>, vector<6250x128xf32>
    %get3A_12 = arith.constant 0 : index
    %get3A_13 = arith.constant 0 : index
    %get3A_14 = vector.load %arg3[%get3A_12, %get3A_13] : memref<128x128xf32, #tpu.memory_space<vmem>>, vector<128x128xf32>
    %dot_general3A = arith.constant dense<0.000000e+00> : vector<6250x128xf32>
    %dot_general3A_15 = tpu.matmul %get3A_11, %get3A_14, %dot_general3A {dimension_numbers = #tpu.dot_dimension_numbers<[1], [0], [0], [1], [0, 0, 1, 1], [], []>, precision = #tpu.contract_precision<fp32>, transpose_lhs_hint = false} : vector<6250x128xf32>, vector<128x128xf32>, vector<6250x128xf32> -> vector<6250x128xf32>
    %get3A_16 = arith.constant 0 : index
    %get3A_17 = arith.constant 0 : index
    %get3A_18 = vector.load %arg2[%get3A_16, %get3A_17] : memref<6250x128xf32, #tpu.memory_space<vmem>>, vector<6250x128xf32>
    %get3A_19 = arith.constant 0 : index
    %get3A_20 = arith.constant 0 : index
    %get3A_21 = vector.load %arg4[%get3A_19, %get3A_20] : memref<128x128xf32, #tpu.memory_space<vmem>>, vector<128x128xf32>
    %dot_general3A_22 = arith.constant dense<0.000000e+00> : vector<6250x128xf32>
    %dot_general3A_23 = tpu.matmul %get3A_18, %get3A_21, %dot_general3A_22 {dimension_numbers = #tpu.dot_dimension_numbers<[1], [0], [0], [1], [0, 0, 1, 1], [], []>, precision = #tpu.contract_precision<fp32>, transpose_lhs_hint = false} : vector<6250x128xf32>, vector<128x128xf32>, vector<6250x128xf32> -> vector<6250x128xf32>
    %mul3A = arith.mulf %add3A, %dot_general3A_15 : vector<6250x128xf32>
    %get3A_24 = arith.constant 0 : index
    %get3A_25 = arith.constant 0 : index
    %get3A_26 = vector.load %arg5[%get3A_24, %get3A_25] : memref<1x128xf32, #tpu.memory_space<vmem>>, vector<1x128xf32>
    %mul3A_27 = vector.broadcast %get3A_26 : vector<1x128xf32> to vector<6250x128xf32>
    %mul3A_28 = arith.mulf %mul3A, %mul3A_27 : vector<6250x128xf32>
    %add3A_29 = arith.addf %mul3A_28, %dot_general3A_23 : vector<6250x128xf32>
    %swap3A = arith.constant 0 : index
    %swap3A_30 = arith.constant 0 : index
    %swap3A_31 = vector.load %arg6[%swap3A, %swap3A_30] : memref<6250x128xf32, #tpu.memory_space<vmem>>, vector<6250x128xf32>
    tpu.vector_store %arg6[%swap3A, %swap3A_30], %add3A_29 {strides = array<i32>} : memref<6250x128xf32, #tpu.memory_space<vmem>>, vector<6250x128xf32>,
    return
  }
  func.func @transform_0(%arg0: i32) -> (i32, i32, i32) {
    %c0_i32 = arith.constant 0 : i32
    %c0_i32_0 = arith.constant 0 : i32
    %c0_i32_1 = arith.constant 0 : i32
    return %c0_i32, %arg0, %c0_i32_0 : i32, i32, i32
  }
  func.func @transform_1(%arg0: i32) -> (i32, i32) {
    %c0_i32 = arith.constant 0 : i32
    %c0_i32_0 = arith.constant 0 : i32
    return %arg0, %c0_i32 : i32, i32
  }
  func.func @transform_2(%arg0: i32) -> (i32, i32) {
    %c0_i32 = arith.constant 0 : i32
    %c0_i32_0 = arith.constant 0 : i32
    %c0_i32_1 = arith.constant 0 : i32
    return %c0_i32, %c0_i32_0 : i32, i32
  }
  func.func @transform_3(%arg0: i32) -> (i32, i32) {
    %c0_i32 = arith.constant 0 : i32
    %c0_i32_0 = arith.constant 0 : i32
    %c0_i32_1 = arith.constant 0 : i32
    return %c0_i32, %c0_i32_0 : i32, i32
  }
  func.func @transform_4(%arg0: i32) -> (i32, i32) {
    %c0_i32 = arith.constant 0 : i32
    %c0_i32_0 = arith.constant 0 : i32
    %c0_i32_1 = arith.constant 0 : i32
    return %c0_i32, %c0_i32_0 : i32, i32
  }
  func.func @transform_5(%arg0: i32) -> (i32, i32) {
    %c0_i32 = arith.constant 0 : i32
    %c0_i32_0 = arith.constant 0 : i32
    return %arg0, %c0_i32 : i32, i32
  }
}

</mosaic_0001>

<sc_bundles>
// kernel: kernel.11.cloned.1.call-start
scs
__scs_entry_jumppad:
0x0: {  	(pc) =	sbr.rel $0x88, $3  }
0x1: {  	(tag) =	ssettag $0x0;
	lr =	simm.s32 $0x1  }
0x2: {  	[smem:$0x3F8D] =	sst lr;
	_ =	strace $0xD0000000  }
0x3: {  	_ = 	snop  }
0x4: {  	_ = 	snop  }
0x5: {  	_ = 	snop  }
0x6: {  	_ = 	snop  }
0x7: {  	_ = 	snop  }
__scs_overlays_trampoline_lowered:
0x8: {  	[smem:$0x3F9C] =	sst s0  }
0x9: {  	[smem:$0x3F9D] =	sst s1  }
0xa: {  	[smem:$0x3F9E] =	sst s2  }
0xb: {  	[smem:$0x3F9F] =	sst s3  }
0xc: {  	[smem:$0x3FA0] =	sst s4  }
0xd: {  	[smem:$0x3FA1] =	sst s5  }
0xe: {  	[smem:$0x3FA2] =	sst s6  }
0xf: {  	[smem:$0x3FA3] =	sst s7  }
0x10: {  	[smem:$0x3FA4] =	sst s8  }
0x11: {  	[smem:$0x3FA5] =	sst s9;
	s0 =	simm.s32 @!p0 $0x0  }
0x12: {  	s1 =	sld [smem:$0x3F8B];
	s0 =	simm.s32 @p0 $0x1  }
0x13: {  	[smem:$0x3FA6] =	sst s0;
	s0 =	simm.s32 @!p1 $0x0  }
0x14: {  	s2 =	sld [smem:$0x3F8A];
	s0 =	simm.s32 @p1 $0x1  }
0x15: {  	[smem:$0x3FA7] =	sst s0;
	s0 =	simm.s32 @!p2 $0x0  }
0x16: {  	s3 =	sld [smem:$0x3FDB];
	s0 =	simm.s32 @p2 $0x1  }
0x17: {  	s4 =	simm.s32 $0x1BF5;
	[smem:$0x3FA9] =	sst s0  }
0x18: {  	s0 =	sld [smem:$0x3F8C];
	_ =	swait.ge [sflag:s4], $0x0  }
0x19: {  	s7 =	sld [smem:$0x3F8D]  }
0x1a: {  	s8 =	sadd.s32 $0xFFFFE003, lr  }
0x1b: {  	s9 =	sadd.s32 $0xFFFFFEF7, lr;
	s5 =	simm.s32 $0xFFFFFFFF;
	p2 =	slt.u32 s8, $0xFFFFF086  }
0x1c: {  	p1 =	slt.u32 s9, $0xF7A;
	s5 =	simm.s32 @!p2 $0x0  }
0x1d: {  	s5 =	simm.s32 @p1 $0x1;
	p0 =	seq.s32 s7, s2  }
0x1e: {  	s7 =	smul.u32 @!p0 $0xF7A, s2;
	p2 =	seq.s32 @!p0 s5, $0x0  }
0x1f: {  	s9 =	smul.u32 $0xF7A, s1;
	s8 =	simm.s32 @!p0 $0x1BF5;
	p2 =	por !p2, p0  }
0x20: {  	[sflag:s8] =	ssyncset.s32 @!p0 $0xFFFFF086;
	s6 =	sadd.s32 @!p0 s3, s7;
	s7 =	simm.s32 @!p0 $0x108  }
0x21: {  	s3 =	sadd.s32 s3, s9;
	s6 =	sadd.s32 @!p0 $0x88, s6;
	s7 =	simm.s32 @p2 $0x1082  }
0x22: {  	[simem:s7], [sflag:s8] =	dma.local @!p0 [hbm:s6], $0xF7A  }
0x23: {  	s9 =	sor.u32 $0xD0000000, s2;
	s6 =	simm.s32 $0x108;
	_ =	swait.ge @!p0 [sflag:s8], $0x0  }
0x24: {  	s3 =	sadd.s32 $0x88, s3;
	s6 =	simm.s32 @!p1 $0x1082;
	[sflag:s4] =	ssyncset.s32 $0xFFFFF086  }
0x25: {  	[simem:s6], [sflag:s4] =	dma.local [hbm:s3], $0xF7A  }
0x26: {  	[smem:$0x3F8D] =	sst s1;
	(tag) =	ssettag s2;
	_ =	strace s9  }
0x27: {  	s1 =	sld [smem:$0x3F9D]  }
0x28: {  	s2 =	sld [smem:$0x3F9E]  }
0x29: {  	s4 =	sld [smem:$0x3FA0]  }
0x2a: {  	p0 =	seq.s32 s5, $0x0;
	s5 =	sld [smem:$0x3FA1]  }
0x2b: {  	s6 =	sld [smem:$0x3FA2]  }
0x2c: {  	s7 =	sld [smem:$0x3FA3]  }
0x2d: {  	s3 =	simm.s32 $0x108;
	s8 =	sld [smem:$0x3FA4]  }
0x2e: {  	s3 =	simm.s32 @!p0 $0x1082;
	s9 =	sld [smem:$0x3FA5]  }
0x2f: {  	lr =	sadd.s32 s0, s3;
	s0 =	sld [smem:$0x3F9C]  }
0x30: {  	s3 =	sld [smem:$0x3F9F]  }
0x31: {  	[smem:$0x3FA8] =	sst s10  }
0x32: {  	s10 =	sld [smem:$0x3FA6];
	_ =	sdelay $0x3  }
0x33: {  	p0 =	seq.s32 s10, $0x1;
	s10 =	sld [smem:$0x3FA8];
	_ =	sdelay $0x3  }
0x34: {  	[smem:$0x3FA8] =	sst s10  }
0x35: {  	s10 =	sld [smem:$0x3FA7];
	_ =	sdelay $0x3  }
0x36: {  	p1 =	seq.s32 s10, $0x1;
	s10 =	sld [smem:$0x3FA8];
	_ =	sdelay $0x3  }
0x37: {  	[smem:$0x3FA8] =	sst s10  }
0x38: {  	s10 =	sld [smem:$0x3FA9]  }
0x39: {  	_ = 	snop;
	(pc) =	sbr.ind lr, $3  }
0x3a: {  	_ = 	snop  }
0x3b: {  	_ = 	snop  }
0x3c: {  	p2 =	seq.s32 s10, $0x1;
	s10 =	sld [smem:$0x3FA8]  }
0x3d: {  	_ =	shalt  }
0x3e: {  	_ =	shalt  }
0x3f: {  	_ =	shalt  }
0x40: {  	_ =	shalt  }
0x41: {  	_ =	shalt  }
0x42: {  	_ =	shalt  }
0x43: {  	_ =	shalt  }
0x44: {  	_ =	shalt  }
0x45: {  	_ =	shalt  }
0x46: {  	_ =	shalt  }
0x47: {  	_ =	shalt  }
0x48: {  	_ =	shalt  }
0x49: {  	_ =	shalt  }
0x4a: {  	_ =	shalt  }
0x4b: {  	_ =	shalt  }
0x4c: {  	_ =	shalt  }
0x4d: {  	_ =	shalt  }
0x4e: {  	_ =	shalt  }
0x4f: {  	_ =	shalt  }
0x50: {  	_ =	shalt  }
0x51: {  	_ =	shalt  }
0x52: {  	_ =	shalt  }
0x53: {  	_ =	shalt  }
0x54: {  	_ =	shalt  }
0x55: {  	_ =	shalt  }
0x56: {  	_ =	shalt  }
0x57: {  	_ =	shalt  }
0x58: {  	_ =	shalt  }
0x59: {  	_ =	shalt  }
0x5a: {  	_ =	shalt  }
0x5b: {  	_ =	shalt  }
0x5c: {  	_ =	shalt  }
0x5d: {  	_ =	shalt  }
0x5e: {  	_ =	shalt  }
0x5f: {  	_ =	shalt  }
0x60: {  	_ =	shalt  }
0x61: {  	_ =	shalt  }
0x62: {  	_ =	shalt  }
0x63: {  	_ =	shalt  }
0x64: {  	_ =	shalt  }
0x65: {  	_ =	shalt  }
0x66: {  	_ =	shalt  }
0x67: {  	_ =	shalt  }
0x68: {  	_ =	shalt  }
0x69: {  	_ =	shalt  }
0x6a: {  	_ =	shalt  }
0x6b: {  	_ =	shalt  }
0x6c: {  	_ =	shalt  }
0x6d: {  	_ =	shalt  }
0x6e: {  	_ =	shalt  }
0x6f: {  	_ =	shalt  }
0x70: {  	_ =	shalt  }
0x71: {  	_ =	shalt  }
0x72: {  	_ =	shalt  }
0x73: {  	_ =	shalt  }
0x74: {  	_ =	shalt  }
0x75: {  	_ =	shalt  }
0x76: {  	_ =	shalt  }
0x77: {  	_ =	shalt  }
0x78: {  	_ =	shalt  }
0x79: {  	_ =	shalt  }
0x7a: {  	_ =	shalt  }
0x7b: {  	_ =	shalt  }
0x7c: {  	_ =	shalt  }
0x7d: {  	_ =	shalt  }
0x7e: {  	_ =	shalt  }
0x7f: {  	_ =	shalt  }
0x80: {  	_ =	shalt  }
0x81: {  	_ =	shalt  }
0x82: {  	_ =	shalt  }
0x83: {  	_ =	shalt  }
0x84: {  	_ =	shalt  }
0x85: {  	_ =	shalt  }
0x86: {  	_ =	shalt  }
0x87: {  	_ =	shalt  }
.Lfunc_end0:
.L_simem_size_0:
called_computation.1_lowered:
.L_overlay_start_0:
0x88: {  	s2 =	sld [smem:$0x3FD9]  }
0x89: {  	s3 =	sld [smem:$0x3FFE];
	_ =	sdelay $0x1  }
0x8a: {  	s1 =	srdreg.scid  }
0x8b: {  	s0 =	sand.u32 $0x1, s1  }
0x8c: {  	s17 =	sshll.u32 s0, $0xA;
	s2 =	sadd.s32 s3, s2  }
0x8d: {  	s2 =	sadd.s32 s2, s17  }
0x8e: {  	[smem:$0x3FB4] =	sst s2  }
0x8f: {  	_ = 	snop  }
0x90: {  	s2 =	sld [smem:$0x3FD0];
	(tm) =	ssettm $0x1  }
0x91: {  	s18 =	sld [smem:$0x3FFB];
	_ =	sdelay $0x3  }
0x92: {  	_ =	strace s18  }
0x93: {  	s3 =	sld [smem:$0x3FFC];
	_ =	sdelay $0x3  }
0x94: {  	_ =	strace s3  }
0x95: {  	s3 =	sld [smem:$0x3FFD];
	_ =	sdelay $0x3  }
0x96: {  	_ =	strace s3  }
0x97: {  	_ =	strace $0x8FFFFFFF  }
0x98: {  	s19 =	sld [smem:$0x3FDB];
	_ =	sdelay $0x1  }
0x99: {  	s4 =	simm.s32 $_scs_section_size  }
0x9a: {  	s5 =	simm.s32 $_size__tile_overlayer_lowered;
	s6 =	simm.s32 $_tile_overlayer_lowered  }
0x9b: {  	s22 =	simm.s32 $0x1BFF;
	s21 =	sshll.u32 s6, $0x1;
	s3 =	sadd.s32 s4, s19  }
0x9c: {  	s7 =	simm.s32 $0x0;
	s20 =	sshll.u32 s5, $0x1;
	s5 =	sadd.s32 s21, s3  }
0x9d: {  	[timem:s7], [sflag:s22] =	dma.local [hbm:s5], s20  }
0x9e: {  	_ =	swait.ge [sflag:s22], s20  }
0x9f: {  	s4 =	ssub.s32 $0x0, s20;
	[sflag:s22] =	ssyncset.done $0x0  }
0xa0: {  	[sflag:s22] =	ssyncadd.s32 s4;
	_ =	sdelay $0x1  }
0xa1: {  	s23 =	simm.s32 $0x1B8B  }
0xa2: {  	_ =	swait.ge [sflag:s23], $0x1  }
0xa3: {  	[sflag:s23] =	ssyncset.done $0x0  }
0xa4: {  	s25 =	simm.s32 $0x1B8E;
	s24 =	sld [smem:$0x3FFE];
	[sflag:s23] =	ssyncadd.s32 $0xFFFFFFFF  }
0xa5: {  	s26 =	simm.s32 $execute0_lowered;
	[smem:$0x3FD2] =	sst s25  }
0xa6: {  	s5 =	sshll.u32 s26, $0x1;
	_ =	strace $0x80000049;
	[dreg:$0x1] =	wrdreg $0xFFFFFFFF  }
0xa7: {  	s28 =	simm.s32 $_size_execute0_lowered;
	s3 =	sadd.s32 s3, s5;
	[dreg:$0x0] =	wrdreg $0x0  }
0xa8: {  	s5 =	sshll.u32 s28, $0x1;
	[dreg:$0x2] =	wrdreg s3  }
0xa9: {  	[dreg:$0x3] =	wrdreg s5  }
0xaa: {  	[dreg:$0x4] =	wrdreg $0xC0  }
0xab: {  	_ =	task [dreg:s7], $0x5FFFF  }
0xac: {  	[dreg:$0x1] =	wrdreg $0xFFFFFFFF  }
0xad: {  	[dreg:$0x0] =	wrdreg $0x60  }
0xae: {  	[dreg:$0x2] =	wrdreg s24  }
0xaf: {  	[dreg:$0x3] =	wrdreg s2  }
0xb0: {  	[dreg:$0x4] =	wrdreg $0x8CA00  }
0xb1: {  	[dreg:$0x5] =	wrdreg $0x9  }
0xb2: {  	_ =	task.clear_ibuf [dreg:s7], $0x6FFFF;
	_ =	strace $0x90000049  }
0xb3: {  	s29 =	simm.s32 $0x9;
	_ =	strace $0x8000004B  }
0xb4: {  	_ =	swait.ge [sflag:s29], $0x1  }
0xb5: {  	[sflag:s29] =	ssyncadd.s32 $0xFFFFFFFF  }
0xb6: {  	_ =	strace $0x9000004B  }
0xb7: {  	_ =	sfence  }
0xb8: {  	s30 =	sld [smem:$0x0];
	_ =	sdelay $0x2  }
0xb9: {  	s31 =	sshll.u32 s1, $0xD;
	s1 =	sshrl.u32 s1, $0x2  }
0xba: {  	s3 =	sand.u32 $0x4000, s31;
	s1 =	sadd.s32 s1, s30  }
0xbb: {  	s0 =	sor.u32 s3, s0;
	s1 =	sshll.u32 s1, $0x11  }
0xbc: {  	s0 =	sor.u32 s1, s0  }
0xbd: {  	s0 =	sadd.s32 $0x8F2B, s0  }
0xbe: {  	[sflag:s0] =	ssyncadd.remote.s32 $0x1  }
0xbf: {  	_ =	sfence.sel $0xFFFF  }
0xc0: {  	[dreg:$0x0] =	wrdreg $0xFFFFFFFF;
	(pc) =	sbr.abs _section_cstart, $3  }
0xc1: {  	[dreg:$0x1] =	wrdreg $0xFFFFFFFF  }
0xc2: {  	_ =	task.clear_ibuf [dreg:s7], $0x2FFFF;
	_ =	strace $0x9FFFFFFF  }
0xc3: {  	(tm) =	ssettm $0x7FFFFFFF  }
tec
execute0_lowered:
.L_overlay_start_1:
0x0: {  	(tag) =	ssettag $0x1  }
0x1: {  	s8 =	rddreg [dreg:$0x0]  }
0x2: {  	s2 =	rddreg [dreg:$0x1]  }
0x3: {  	s3 =	rddreg [dreg:$0x2]  }
0x4: {  	s0 =	rddreg [dreg:$0x3]  }
0x5: {  	s1 =	stileid.u32;
	s4 =	simm.s32 $0x0;
	s5 =	srdreg.scid  }
0x6: {  	s17 =	simm.s32 $0xFA0;
	s18 =	simm.s32 $0x4E20;
	s19 =	simm.s32 $0x1  }
0x7: {  	s20 =	simm.s32 $0x2;
	s21 =	simm.s32 $0xBB8;
	s22 =	simm.s32 $0x3  }
0x8: {  	s23 =	simm.s32 $0x4;
	s24 =	simm.s32 $0x7D0;
	s25 =	simm.s32 $0x0  }
0x9: {  	s6 =	smul.u32 $0xC38, s1;
	[smem:$0x7FF] =	sst s4;
	s9 =	sand.u32 $0x1, s5  }
0xa: {  	s5 =	sadd.s32 $0x3C00, s8;
	s12 =	sshll.u32 s1, $0x1;
	s14 =	smul.u32 $0x186A0, s1  }
0xb: {  	s31 =	sshll.u32 s1, $0x6;
	_ =	strace $0x8000004A;
	s10 =	smul.u32 $0xC3500, s9  }
0xc: {  	s13 =	ssub.s32 $0x2, s9;
	s12 =	sor.u32 s9, s12;
	s16 =	smul.u32 $0xC350, s9  }
0xd: {  	s7 =	smin.u32 s6, $0xB718;
	s6 =	sadd.s32 $0x35C00, s8;
	s12 =	smul.u32 $0xC350, s12  }
0xe: {  	s30 =	sshrl.u32 s13, $0x1;
	s11 =	sshll.u32 s7, $0x4;
	s7 =	sadd.s32 $0x67C00, s8  }
0xf: {  	s13 =	ssub.s32 s13, s30;
	s10 =	sadd.s32 s10, s11;
	s12 =	sshrl.u32 s12, $0x3  }
0x10: {  	s15 =	sadd.s32 s11, s3;
	s10 =	sshrl.u32 s10, $0x3;
	s11 =	sadd.s32 s5, s12  }
0x11: {  	s12 =	sadd.s32 s6, s12;
	s10 =	sadd.s32 s10, s8;
	s8 =	sor.u32 $0x1C05, s31  }
0x12: {  	s9 =	sadd.s32 $0x80400, s10;
	s10 =	smax.u32 s13, $0x1;
	s13 =	sadd.s32 s16, s14  }
0x13: {  	s14 =	sshrl.u32 s15, $0x3;
	s15 =	simm.s32 $0x5;
	s16 =	simm.s32 $0x3E8  }
.LBB2_1:
0x14: {  	[spmem:s14], [sflag:s8] =	dma.local [hbm:s2], $0x1870  }
0x15: {  	_ =	swait.ge [sflag:s15], $0x1870  }
0x16: {  	[sflag:s15] =	ssyncset.done $0x0  }
0x17: {  	[sflag:s15] =	ssyncadd.s32 $0xFFFFE790  }
0x18: {  	[bflag:$0x0] =	sbarrier.arrive $0xFFFF  }
0x19: {  	[tilespmem:s4], [sflag:$0x5] =	stream.linear.gather [hbm4b:s11+s4], $0x7D0, $0x38;
	[tilespmem:$0x14FF0] =	vst v63  }
0x1a: {  	_ =	swait.ge [sflag:s15], $0x7D0  }
0x1b: {  	[sflag:s15] =	ssyncset.done $0x0  }
0x1c: {  	[sflag:s15] =	ssyncadd.s32 $0xFFFFF830  }
0x1d: {  	[tilespmem:s24], [sflag:$0x5] =	stream.linear.gather [hbm4b:s12+s4], $0x7D0, $0x38;
	[tilespmem:$0x14FF0] =	vst v63  }
0x1e: {  	_ =	swait.ge [sflag:s15], $0x7D0  }
0x1f: {  	[sflag:s15] =	ssyncset.done $0x0  }
0x20: {  	[sflag:s15] =	ssyncadd.s32 $0xFFFFF830  }
0x21: {  	[tilespmem:s17], [sflag:$0x1] =	stream.indirect.gather [hbm4b:s7+s16], $0x10, s4, s16, $0xb8;
	[tilespmem:$0x14FF0] =	vst v63  }
0x22: {  	_ = 	snop  }
0x23: {  	[tilespmem:s18], [sflag:$0x2] =	stream.indirect.gather [hbm4b:s7+s16], $0x10, s16, s16, $0xb8;
	[tilespmem:$0x14FF0] =	vst v63  }
0x24: {  	_ =	swait.ge [sflag:s19], $0x3E80  }
0x25: {  	[sflag:s19] =	ssyncset.done $0x0  }
0x26: {  	[sflag:s19] =	ssyncadd.s32 $0xFFFFC180  }
0x27: {  	[spmem:s3] =	stream.indirect.scatter.add.f32 [tilespmem:s17], [sflag:$0x3], $0x10, s24, s16, $0xb8;
	[tilespmem:$0x14FF0] =	vst v63  }
0x28: {  	_ =	swait.ge [sflag:s20], $0x3E80  }
0x29: {  	[sflag:s20] =	ssyncset.done $0x0  }
0x2a: {  	[sflag:s20] =	ssyncadd.s32 $0xFFFFC180  }
0x2b: {  	[spmem:s3] =	stream.indirect.scatter.add.f32 [tilespmem:s18], [sflag:$0x4], $0x10, s21, s16, $0xb8;
	[tilespmem:$0x14FF0] =	vst v63  }
0x2c: {  	_ =	swait.ge [sflag:s22], $0x3E80  }
0x2d: {  	[sflag:s22] =	ssyncset.done $0x0  }
0x2e: {  	[sflag:s22] =	ssyncadd.s32 $0xFFFFC180  }
0x2f: {  	s26 =	sadd.s32 $0x7D0, s13;
	_ =	swait.ge [sflag:s23], $0x3E80  }
0x30: {  	s26 =	sshrl.u32 s26, $0x3;
	[sflag:s23] =	ssyncset.done $0x0  }
0x31: {  	s28 =	sadd.s32 s5, s26;
	[sflag:s23] =	ssyncadd.s32 $0xFFFFC180  }
0x32: {  	[tilespmem:s4], [sflag:$0x5] =	stream.linear.gather [hbm4b:s28+s4], $0x7D0, $0x38;
	[tilespmem:$0x14FF0] =	vst v63  }
0x33: {  	_ =	swait.ge [sflag:s15], $0x7D0  }
0x34: {  	[sflag:s15] =	ssyncset.done $0x0  }
0x35: {  	s26 =	sadd.s32 s6, s26;
	[sflag:s15] =	ssyncadd.s32 $0xFFFFF830  }
0x36: {  	[tilespmem:s24], [sflag:$0x5] =	stream.linear.gather [hbm4b:s26+s4], $0x7D0, $0x38;
	[tilespmem:$0x14FF0] =	vst v63  }
0x37: {  	_ =	swait.ge [sflag:s15], $0x7D0  }
0x38: {  	[sflag:s15] =	ssyncset.done $0x0  }
0x39: {  	[sflag:s15] =	ssyncadd.s32 $0xFFFFF830  }
0x3a: {  	[tilespmem:s17], [sflag:$0x1] =	stream.indirect.gather [hbm4b:s7+s16], $0x10, s4, s16, $0xb8;
	[tilespmem:$0x14FF0] =	vst v63  }
0x3b: {  	_ = 	snop  }
0x3c: {  	[tilespmem:s18], [sflag:$0x2] =	stream.indirect.gather [hbm4b:s7+s16], $0x10, s16, s16, $0xb8;
	[tilespmem:$0x14FF0] =	vst v63  }
0x3d: {  	_ =	swait.ge [sflag:s19], $0x3E80  }
0x3e: {  	[sflag:s19] =	ssyncset.done $0x0  }
0x3f: {  	[sflag:s19] =	ssyncadd.s32 $0xFFFFC180  }
0x40: {  	[spmem:s3] =	stream.indirect.scatter.add.f32 [tilespmem:s17], [sflag:$0x3], $0x10, s24, s16, $0xb8;
	[tilespmem:$0x14FF0] =	vst v63  }
0x41: {  	_ =	swait.ge [sflag:s20], $0x3E80  }
0x42: {  	[sflag:s20] =	ssyncset.done $0x0  }
0x43: {  	s26 =	simm.s32 $0xFA0;
	[sflag:s20] =	ssyncadd.s32 $0xFFFFC180  }
.LBB2_2:
0x44: {  	[spmem:s3] =	stream.indirect.scatter.add.f32 [tilespmem:s18], [sflag:$0x4], $0x10, s21, s16, $0xb8;
	[tilespmem:$0x14FF0] =	vst v63  }
0x45: {  	s28 =	smov.u32 s26  }
0x46: {  	p0 =	sne.s32 s26, $0xBB80;
	s26 =	sadd.s32 $0x7D0, s26;
	_ =	swait.ge [sflag:s22], $0x3E80  }
0x47: {  	[sflag:s22] =	ssyncset.done $0x0  }
0x48: {  	[sflag:s22] =	ssyncadd.s32 $0xFFFFC180  }
0x49: {  	s28 =	sadd.s32 s28, s13;
	_ =	swait.ge [sflag:s23], $0x3E80  }
0x4a: {  	s28 =	sshrl.u32 s28, $0x3;
	[sflag:s23] =	ssyncset.done $0x0  }
0x4b: {  	s29 =	sadd.s32 s5, s28;
	[sflag:s23] =	ssyncadd.s32 $0xFFFFC180  }
0x4c: {  	[tilespmem:s4], [sflag:$0x5] =	stream.linear.gather [hbm4b:s29+s4], $0x7D0, $0x38;
	[tilespmem:$0x14FF0] =	vst v63  }
0x4d: {  	_ =	swait.ge [sflag:s15], $0x7D0  }
0x4e: {  	[sflag:s15] =	ssyncset.done $0x0  }
0x4f: {  	s28 =	sadd.s32 s6, s28;
	[sflag:s15] =	ssyncadd.s32 $0xFFFFF830  }
0x50: {  	[tilespmem:s24], [sflag:$0x5] =	stream.linear.gather [hbm4b:s28+s4], $0x7D0, $0x38;
	[tilespmem:$0x14FF0] =	vst v63  }
0x51: {  	_ =	swait.ge [sflag:s15], $0x7D0  }
0x52: {  	[sflag:s15] =	ssyncset.done $0x0  }
0x53: {  	[sflag:s15] =	ssyncadd.s32 $0xFFFFF830  }
0x54: {  	[tilespmem:s17], [sflag:$0x1] =	stream.indirect.gather [hbm4b:s7+s16], $0x10, s4, s16, $0xb8;
	[tilespmem:$0x14FF0] =	vst v63  }
0x55: {  	_ = 	snop  }
0x56: {  	[tilespmem:s18], [sflag:$0x2] =	stream.indirect.gather [hbm4b:s7+s16], $0x10, s16, s16, $0xb8;
	[tilespmem:$0x14FF0] =	vst v63  }
0x57: {  	_ =	swait.ge [sflag:s19], $0x3E80  }
0x58: {  	[sflag:s19] =	ssyncset.done $0x0  }
.Ltmp0:
0x59: {  	[sflag:s19] =	ssyncadd.s32 $0xFFFFC180;
	(pc) =	sbr.rel @p0 .LBB2_2-.Ltmp0, $4  }
0x5a: {  	[spmem:s3] =	stream.indirect.scatter.add.f32 [tilespmem:s17], [sflag:$0x3], $0x10, s24, s16, $0xb8;
	[tilespmem:$0x14FF0] =	vst v63  }
0x5b: {  	_ =	swait.ge [sflag:s20], $0x3E80  }
0x5c: {  	[sflag:s20] =	ssyncset.done $0x0  }
0x5d: {  	[sflag:s20] =	ssyncadd.s32 $0xFFFFC180  }
0x5e: {  	[spmem:s3] =	stream.indirect.scatter.add.f32 [tilespmem:s18], [sflag:$0x4], $0x10, s21, s16, $0xb8;
	[tilespmem:$0x14FF0] =	vst v63  }
0x5f: {  	_ =	swait.ge [sflag:s22], $0x3E80  }
0x60: {  	[sflag:s22] =	ssyncset.done $0x0  }
0x61: {  	[sflag:s22] =	ssyncadd.s32 $0xFFFFC180  }
0x62: {  	_ =	swait.ge [sflag:s23], $0x3E80  }
0x63: {  	s25 =	sadd.s32 $0x1, s25;
	[sflag:s23] =	ssyncset.done $0x0  }
0x64: {  	p0 =	sne.s32 s25, s10;
	[sflag:s23] =	ssyncadd.s32 $0xFFFFC180  }
.Ltmp1:
0x65: {  	[bflag:$0x0] =	sbarrier.arrive $0xFFFF;
	(pc) =	sbr.rel @p0 .LBB2_1-.Ltmp1, $4  }
0x66: {  	[hbm:s9], [sflag:s8] =	dma.local [spmem:s14], $0x1870  }
0x67: {  	_ =	swait.ge [sflag:s15], $0x1870  }
0x68: {  	[sflag:s15] =	ssyncset.done $0x0  }
0x69: {  	[sflag:s15] =	ssyncadd.s32 $0xFFFFE790  }
0x6a: {  	_ =	sfence.sel $0x180000  }
0x6b: {  	[bflag:$0x0] =	sbarrier.arrive $0xFFFF  }
0x6c: {  	p0 =	sne.s32 s1, $0x0;
	_ =	strace $0x9000004A  }
0x6d: {  	s0 =	sadd.s32 @!p0 $0x100000, s0;
	[bflag:$0x2] =	sbarrier.arrive $0xFFFF  }
0x6e: {  	[sflag:s0] =	ssyncadd.tile.s32 @!p0 $0x1;
	_ =	shalt  }
.Lfunc_end2:
_tile_overlayer_lowered:
.L_overlay_start_2:
0x6f: {  	(tag) =	ssettag $0x2  }
0x70: {  	s0 =	rddreg [dreg:$0x0];
	s2 =	stileid.u32  }
0x71: {  	s1 =	rddreg [dreg:$0x1];
	p0 =	sne.s32 s2, $0x0  }
0x72: {  	s3 =	rddreg [dreg:$0x2];
	[bflag:$0x3] =	sbarrier.arrive $0xFFFF;
	s2 =	simm.s32 @!p0 $0x1C05  }
0x73: {  	[timem:s3], [sflag:s2] =	dma.local @!p0 [hbm:s0], s1  }
0x74: {  	s0 =	simm.s32 @!p0 $0x5  }
0x75: {  	_ =	swait.ge @!p0 [sflag:s0], s1  }
0x76: {  	s1 =	ssub.s32 @!p0 $0x0, s1;
	[sflag:s0] =	ssyncset.done @!p0 $0x0  }
0x77: {  	[sflag:s0] =	ssyncadd.s32 @!p0 s1  }
0x78: {  	[bflag:$0x3] =	sbarrier.arrive $0xFFFF  }
0x79: {  	_ =	shalt  }

// kernel: kernel.8.cloned.1.call-start
scs
__scs_entry_jumppad:
0x0: {  	(pc) =	sbr.rel $0x88, $3  }
0x1: {  	(tag) =	ssettag $0x0;
	lr =	simm.s32 $0x1  }
0x2: {  	[smem:$0x3F8D] =	sst lr;
	_ =	strace $0xD0000000  }
0x3: {  	_ = 	snop  }
0x4: {  	_ = 	snop  }
0x5: {  	_ = 	snop  }
0x6: {  	_ = 	snop  }
0x7: {  	_ = 	snop  }
__scs_overlays_trampoline_lowered:
0x8: {  	[smem:$0x3F9C] =	sst s0  }
0x9: {  	[smem:$0x3F9D] =	sst s1  }
0xa: {  	[smem:$0x3F9E] =	sst s2  }
0xb: {  	[smem:$0x3F9F] =	sst s3  }
0xc: {  	[smem:$0x3FA0] =	sst s4  }
0xd: {  	[smem:$0x3FA1] =	sst s5  }
0xe: {  	[smem:$0x3FA2] =	sst s6  }
0xf: {  	[smem:$0x3FA3] =	sst s7  }
0x10: {  	[smem:$0x3FA4] =	sst s8  }
0x11: {  	[smem:$0x3FA5] =	sst s9;
	s0 =	simm.s32 @!p0 $0x0  }
0x12: {  	s1 =	sld [smem:$0x3F8B];
	s0 =	simm.s32 @p0 $0x1  }
0x13: {  	[smem:$0x3FA6] =	sst s0;
	s0 =	simm.s32 @!p1 $0x0  }
0x14: {  	s2 =	sld [smem:$0x3F8A];
	s0 =	simm.s32 @p1 $0x1  }
0x15: {  	[smem:$0x3FA7] =	sst s0;
	s0 =	simm.s32 @!p2 $0x0  }
0x16: {  	s3 =	sld [smem:$0x3FDB];
	s0 =	simm.s32 @p2 $0x1  }
0x17: {  	s4 =	simm.s32 $0x1BF5;
	[smem:$0x3FA9] =	sst s0  }
0x18: {  	s0 =	sld [smem:$0x3F8C];
	_ =	swait.ge [sflag:s4], $0x0  }
0x19: {  	s7 =	sld [smem:$0x3F8D]  }
0x1a: {  	s8 =	sadd.s32 $0xFFFFE003, lr  }
0x1b: {  	s9 =	sadd.s32 $0xFFFFFEF7, lr;
	s5 =	simm.s32 $0xFFFFFFFF;
	p2 =	slt.u32 s8, $0xFFFFF086  }
0x1c: {  	p1 =	slt.u32 s9, $0xF7A;
	s5 =	simm.s32 @!p2 $0x0  }
0x1d: {  	s5 =	simm.s32 @p1 $0x1;
	p0 =	seq.s32 s7, s2  }
0x1e: {  	s7 =	smul.u32 @!p0 $0xF7A, s2;
	p2 =	seq.s32 @!p0 s5, $0x0  }
0x1f: {  	s9 =	smul.u32 $0xF7A, s1;
	s8 =	simm.s32 @!p0 $0x1BF5;
	p2 =	por !p2, p0  }
0x20: {  	[sflag:s8] =	ssyncset.s32 @!p0 $0xFFFFF086;
	s6 =	sadd.s32 @!p0 s3, s7;
	s7 =	simm.s32 @!p0 $0x108  }
0x21: {  	s3 =	sadd.s32 s3, s9;
	s6 =	sadd.s32 @!p0 $0x88, s6;
	s7 =	simm.s32 @p2 $0x1082  }
0x22: {  	[simem:s7], [sflag:s8] =	dma.local @!p0 [hbm:s6], $0xF7A  }
0x23: {  	s9 =	sor.u32 $0xD0000000, s2;
	s6 =	simm.s32 $0x108;
	_ =	swait.ge @!p0 [sflag:s8], $0x0  }
0x24: {  	s3 =	sadd.s32 $0x88, s3;
	s6 =	simm.s32 @!p1 $0x1082;
	[sflag:s4] =	ssyncset.s32 $0xFFFFF086  }
0x25: {  	[simem:s6], [sflag:s4] =	dma.local [hbm:s3], $0xF7A  }
0x26: {  	[smem:$0x3F8D] =	sst s1;
	(tag) =	ssettag s2;
	_ =	strace s9  }
0x27: {  	s1 =	sld [smem:$0x3F9D]  }
0x28: {  	s2 =	sld [smem:$0x3F9E]  }
0x29: {  	s4 =	sld [smem:$0x3FA0]  }
0x2a: {  	p0 =	seq.s32 s5, $0x0;
	s5 =	sld [smem:$0x3FA1]  }
0x2b: {  	s6 =	sld [smem:$0x3FA2]  }
0x2c: {  	s7 =	sld [smem:$0x3FA3]  }
0x2d: {  	s3 =	simm.s32 $0x108;
	s8 =	sld [smem:$0x3FA4]  }
0x2e: {  	s3 =	simm.s32 @!p0 $0x1082;
	s9 =	sld [smem:$0x3FA5]  }
0x2f: {  	lr =	sadd.s32 s0, s3;
	s0 =	sld [smem:$0x3F9C]  }
0x30: {  	s3 =	sld [smem:$0x3F9F]  }
0x31: {  	[smem:$0x3FA8] =	sst s10  }
0x32: {  	s10 =	sld [smem:$0x3FA6];
	_ =	sdelay $0x3  }
0x33: {  	p0 =	seq.s32 s10, $0x1;
	s10 =	sld [smem:$0x3FA8];
	_ =	sdelay $0x3  }
0x34: {  	[smem:$0x3FA8] =	sst s10  }
0x35: {  	s10 =	sld [smem:$0x3FA7];
	_ =	sdelay $0x3  }
0x36: {  	p1 =	seq.s32 s10, $0x1;
	s10 =	sld [smem:$0x3FA8];
	_ =	sdelay $0x3  }
0x37: {  	[smem:$0x3FA8] =	sst s10  }
0x38: {  	s10 =	sld [smem:$0x3FA9]  }
0x39: {  	_ = 	snop;
	(pc) =	sbr.ind lr, $3  }
0x3a: {  	_ = 	snop  }
0x3b: {  	_ = 	snop  }
0x3c: {  	p2 =	seq.s32 s10, $0x1;
	s10 =	sld [smem:$0x3FA8]  }
0x3d: {  	_ =	shalt  }
0x3e: {  	_ =	shalt  }
0x3f: {  	_ =	shalt  }
0x40: {  	_ =	shalt  }
0x41: {  	_ =	shalt  }
0x42: {  	_ =	shalt  }
0x43: {  	_ =	shalt  }
0x44: {  	_ =	shalt  }
0x45: {  	_ =	shalt  }
0x46: {  	_ =	shalt  }
0x47: {  	_ =	shalt  }
0x48: {  	_ =	shalt  }
0x49: {  	_ =	shalt  }
0x4a: {  	_ =	shalt  }
0x4b: {  	_ =	shalt  }
0x4c: {  	_ =	shalt  }
0x4d: {  	_ =	shalt  }
0x4e: {  	_ =	shalt  }
0x4f: {  	_ =	shalt  }
0x50: {  	_ =	shalt  }
0x51: {  	_ =	shalt  }
0x52: {  	_ =	shalt  }
0x53: {  	_ =	shalt  }
0x54: {  	_ =	shalt  }
0x55: {  	_ =	shalt  }
0x56: {  	_ =	shalt  }
0x57: {  	_ =	shalt  }
0x58: {  	_ =	shalt  }
0x59: {  	_ =	shalt  }
0x5a: {  	_ =	shalt  }
0x5b: {  	_ =	shalt  }
0x5c: {  	_ =	shalt  }
0x5d: {  	_ =	shalt  }
0x5e: {  	_ =	shalt  }
0x5f: {  	_ =	shalt  }
0x60: {  	_ =	shalt  }
0x61: {  	_ =	shalt  }
0x62: {  	_ =	shalt  }
0x63: {  	_ =	shalt  }
0x64: {  	_ =	shalt  }
0x65: {  	_ =	shalt  }
0x66: {  	_ =	shalt  }
0x67: {  	_ =	shalt  }
0x68: {  	_ =	shalt  }
0x69: {  	_ =	shalt  }
0x6a: {  	_ =	shalt  }
0x6b: {  	_ =	shalt  }
0x6c: {  	_ =	shalt  }
0x6d: {  	_ =	shalt  }
0x6e: {  	_ =	shalt  }
0x6f: {  	_ =	shalt  }
0x70: {  	_ =	shalt  }
0x71: {  	_ =	shalt  }
0x72: {  	_ =	shalt  }
0x73: {  	_ =	shalt  }
0x74: {  	_ =	shalt  }
0x75: {  	_ =	shalt  }
0x76: {  	_ =	shalt  }
0x77: {  	_ =	shalt  }
0x78: {  	_ =	shalt  }
0x79: {  	_ =	shalt  }
0x7a: {  	_ =	shalt  }
0x7b: {  	_ =	shalt  }
0x7c: {  	_ =	shalt  }
0x7d: {  	_ =	shalt  }
0x7e: {  	_ =	shalt  }
0x7f: {  	_ =	shalt  }
0x80: {  	_ =	shalt  }
0x81: {  	_ =	shalt  }
0x82: {  	_ =	shalt  }
0x83: {  	_ =	shalt  }
0x84: {  	_ =	shalt  }
0x85: {  	_ =	shalt  }
0x86: {  	_ =	shalt  }
0x87: {  	_ =	shalt  }
.Lfunc_end0:
.L_simem_size_0:
called_computation_lowered:
.L_overlay_start_0:
0x88: {  	s2 =	sld [smem:$0x3FD9]  }
0x89: {  	s3 =	sld [smem:$0x3FFE];
	_ =	sdelay $0x1  }
0x8a: {  	s1 =	srdreg.scid  }
0x8b: {  	s0 =	sand.u32 $0x1, s1  }
0x8c: {  	s17 =	sshll.u32 s0, $0xA;
	s2 =	sadd.s32 s3, s2  }
0x8d: {  	s2 =	sadd.s32 s2, s17  }
0x8e: {  	[smem:$0x3FB4] =	sst s2  }
0x8f: {  	_ = 	snop  }
0x90: {  	s2 =	sld [smem:$0x3FD0];
	(tm) =	ssettm $0x1  }
0x91: {  	s18 =	sld [smem:$0x3FFB];
	_ =	sdelay $0x3  }
0x92: {  	_ =	strace s18  }
0x93: {  	s3 =	sld [smem:$0x3FFC];
	_ =	sdelay $0x3  }
0x94: {  	_ =	strace s3  }
0x95: {  	s3 =	sld [smem:$0x3FFD];
	_ =	sdelay $0x3  }
0x96: {  	_ =	strace s3  }
0x97: {  	_ =	strace $0x8FFFFFFF  }
0x98: {  	s19 =	sld [smem:$0x3FDB];
	_ =	sdelay $0x1  }
0x99: {  	s4 =	simm.s32 $_scs_section_size  }
0x9a: {  	s5 =	simm.s32 $_size__tile_overlayer_lowered;
	s6 =	simm.s32 $_tile_overlayer_lowered  }
0x9b: {  	s22 =	simm.s32 $0x1BFF;
	s21 =	sshll.u32 s6, $0x1;
	s3 =	sadd.s32 s4, s19  }
0x9c: {  	s7 =	simm.s32 $0x0;
	s20 =	sshll.u32 s5, $0x1;
	s5 =	sadd.s32 s21, s3  }
0x9d: {  	[timem:s7], [sflag:s22] =	dma.local [hbm:s5], s20  }
0x9e: {  	_ =	swait.ge [sflag:s22], s20  }
0x9f: {  	s4 =	ssub.s32 $0x0, s20;
	[sflag:s22] =	ssyncset.done $0x0  }
0xa0: {  	[sflag:s22] =	ssyncadd.s32 s4;
	_ =	sdelay $0x1  }
0xa1: {  	s23 =	simm.s32 $0x1B8B  }
0xa2: {  	_ =	swait.ge [sflag:s23], $0x1  }
0xa3: {  	[sflag:s23] =	ssyncset.done $0x0  }
0xa4: {  	s25 =	simm.s32 $0x1B8E;
	s24 =	sld [smem:$0x3FFE];
	[sflag:s23] =	ssyncadd.s32 $0xFFFFFFFF  }
0xa5: {  	s26 =	simm.s32 $execute0_lowered;
	[smem:$0x3FD2] =	sst s25  }
0xa6: {  	s5 =	sshll.u32 s26, $0x1;
	_ =	strace $0x80000046;
	[dreg:$0x1] =	wrdreg $0xFFFFFFFF  }
0xa7: {  	s28 =	simm.s32 $_size_execute0_lowered;
	s3 =	sadd.s32 s3, s5;
	[dreg:$0x0] =	wrdreg $0x0  }
0xa8: {  	s5 =	sshll.u32 s28, $0x1;
	[dreg:$0x2] =	wrdreg s3  }
0xa9: {  	[dreg:$0x3] =	wrdreg s5  }
0xaa: {  	[dreg:$0x4] =	wrdreg $0xC0  }
0xab: {  	_ =	task [dreg:s7], $0x5FFFF  }
0xac: {  	[dreg:$0x1] =	wrdreg $0xFFFFFFFF  }
0xad: {  	[dreg:$0x0] =	wrdreg $0x60  }
0xae: {  	[dreg:$0x2] =	wrdreg s24  }
0xaf: {  	[dreg:$0x3] =	wrdreg s2  }
0xb0: {  	[dreg:$0x4] =	wrdreg $0x8CA00  }
0xb1: {  	[dreg:$0x5] =	wrdreg $0x9  }
0xb2: {  	_ =	task.clear_ibuf [dreg:s7], $0x6FFFF;
	_ =	strace $0x90000046  }
0xb3: {  	s29 =	simm.s32 $0x9;
	_ =	strace $0x80000048  }
0xb4: {  	_ =	swait.ge [sflag:s29], $0x1  }
0xb5: {  	[sflag:s29] =	ssyncadd.s32 $0xFFFFFFFF  }
0xb6: {  	_ =	strace $0x90000048  }
0xb7: {  	_ =	sfence  }
0xb8: {  	s30 =	sld [smem:$0x0];
	_ =	sdelay $0x2  }
0xb9: {  	s31 =	sshll.u32 s1, $0xD;
	s1 =	sshrl.u32 s1, $0x2  }
0xba: {  	s3 =	sand.u32 $0x4000, s31;
	s1 =	sadd.s32 s1, s30  }
0xbb: {  	s0 =	sor.u32 s3, s0;
	s1 =	sshll.u32 s1, $0x11  }
0xbc: {  	s0 =	sor.u32 s1, s0  }
0xbd: {  	s0 =	sadd.s32 $0x8F2B, s0  }
0xbe: {  	[sflag:s0] =	ssyncadd.remote.s32 $0x1  }
0xbf: {  	_ =	sfence.sel $0xFFFF  }
0xc0: {  	[dreg:$0x0] =	wrdreg $0xFFFFFFFF;
	(pc) =	sbr.abs _section_cstart, $3  }
0xc1: {  	[dreg:$0x1] =	wrdreg $0xFFFFFFFF  }
0xc2: {  	_ =	task.clear_ibuf [dreg:s7], $0x2FFFF;
	_ =	strace $0x9FFFFFFF  }
0xc3: {  	(tm) =	ssettm $0x7FFFFFFF  }
tec
execute0_lowered:
.L_overlay_start_1:
0x0: {  	(tag) =	ssettag $0x1  }
0x1: {  	s8 =	rddreg [dreg:$0x0]  }
0x2: {  	s2 =	rddreg [dreg:$0x1]  }
0x3: {  	s3 =	rddreg [dreg:$0x2]  }
0x4: {  	s0 =	rddreg [dreg:$0x3]  }
0x5: {  	s1 =	stileid.u32;
	s4 =	simm.s32 $0x0;
	s5 =	srdreg.scid  }
0x6: {  	s17 =	simm.s32 $0xFA0;
	s18 =	simm.s32 $0x4E20;
	s19 =	simm.s32 $0x1  }
0x7: {  	s20 =	simm.s32 $0x2;
	s21 =	simm.s32 $0xBB8;
	s22 =	simm.s32 $0x3  }
0x8: {  	s23 =	simm.s32 $0x4;
	s24 =	simm.s32 $0x7D0;
	s25 =	simm.s32 $0x0  }
0x9: {  	s6 =	smul.u32 $0xC38, s1;
	[smem:$0x7FF] =	sst s4;
	s9 =	sand.u32 $0x1, s5  }
0xa: {  	s5 =	sadd.s32 $0x3C00, s8;
	s12 =	sshll.u32 s1, $0x1;
	s14 =	smul.u32 $0x186A0, s1  }
0xb: {  	s31 =	sshll.u32 s1, $0x6;
	_ =	strace $0x80000047;
	s10 =	smul.u32 $0xC3500, s9  }
0xc: {  	s13 =	ssub.s32 $0x2, s9;
	s12 =	sor.u32 s9, s12;
	s16 =	smul.u32 $0xC350, s9  }
0xd: {  	s7 =	smin.u32 s6, $0xB718;
	s6 =	sadd.s32 $0x35C00, s8;
	s12 =	smul.u32 $0xC350, s12  }
0xe: {  	s30 =	sshrl.u32 s13, $0x1;
	s11 =	sshll.u32 s7, $0x4;
	s7 =	sadd.s32 $0x12B200, s8  }
0xf: {  	s13 =	ssub.s32 s13, s30;
	s10 =	sadd.s32 s10, s11;
	s12 =	sshrl.u32 s12, $0x3  }
0x10: {  	s15 =	sadd.s32 s11, s3;
	s10 =	sshrl.u32 s10, $0x3;
	s11 =	sadd.s32 s5, s12  }
0x11: {  	s12 =	sadd.s32 s6, s12;
	s10 =	sadd.s32 s10, s8;
	s8 =	sor.u32 $0x1C05, s31  }
0x12: {  	s9 =	sadd.s32 $0x143A00, s10;
	s10 =	smax.u32 s13, $0x1;
	s13 =	sadd.s32 s16, s14  }
0x13: {  	s14 =	sshrl.u32 s15, $0x3;
	s15 =	simm.s32 $0x5;
	s16 =	simm.s32 $0x3E8  }
.LBB2_1:
0x14: {  	[spmem:s14], [sflag:s8] =	dma.local [hbm:s2], $0x1870  }
0x15: {  	_ =	swait.ge [sflag:s15], $0x1870  }
0x16: {  	[sflag:s15] =	ssyncset.done $0x0  }
0x17: {  	[sflag:s15] =	ssyncadd.s32 $0xFFFFE790  }
0x18: {  	[bflag:$0x0] =	sbarrier.arrive $0xFFFF  }
0x19: {  	[tilespmem:s4], [sflag:$0x5] =	stream.linear.gather [hbm4b:s11+s4], $0x7D0, $0x38;
	[tilespmem:$0x14FF0] =	vst v63  }
0x1a: {  	_ =	swait.ge [sflag:s15], $0x7D0  }
0x1b: {  	[sflag:s15] =	ssyncset.done $0x0  }
0x1c: {  	[sflag:s15] =	ssyncadd.s32 $0xFFFFF830  }
0x1d: {  	[tilespmem:s24], [sflag:$0x5] =	stream.linear.gather [hbm4b:s12+s4], $0x7D0, $0x38;
	[tilespmem:$0x14FF0] =	vst v63  }
0x1e: {  	_ =	swait.ge [sflag:s15], $0x7D0  }
0x1f: {  	[sflag:s15] =	ssyncset.done $0x0  }
0x20: {  	[sflag:s15] =	ssyncadd.s32 $0xFFFFF830  }
0x21: {  	[tilespmem:s17], [sflag:$0x1] =	stream.indirect.gather [hbm4b:s7+s16], $0x10, s4, s16, $0xb8;
	[tilespmem:$0x14FF0] =	vst v63  }
0x22: {  	_ = 	snop  }
0x23: {  	[tilespmem:s18], [sflag:$0x2] =	stream.indirect.gather [hbm4b:s7+s16], $0x10, s16, s16, $0xb8;
	[tilespmem:$0x14FF0] =	vst v63  }
0x24: {  	_ =	swait.ge [sflag:s19], $0x3E80  }
0x25: {  	[sflag:s19] =	ssyncset.done $0x0  }
0x26: {  	[sflag:s19] =	ssyncadd.s32 $0xFFFFC180  }
0x27: {  	[spmem:s3] =	stream.indirect.scatter.add.f32 [tilespmem:s17], [sflag:$0x3], $0x10, s24, s16, $0xb8;
	[tilespmem:$0x14FF0] =	vst v63  }
0x28: {  	_ =	swait.ge [sflag:s20], $0x3E80  }
0x29: {  	[sflag:s20] =	ssyncset.done $0x0  }
0x2a: {  	[sflag:s20] =	ssyncadd.s32 $0xFFFFC180  }
0x2b: {  	[spmem:s3] =	stream.indirect.scatter.add.f32 [tilespmem:s18], [sflag:$0x4], $0x10, s21, s16, $0xb8;
	[tilespmem:$0x14FF0] =	vst v63  }
0x2c: {  	_ =	swait.ge [sflag:s22], $0x3E80  }
0x2d: {  	[sflag:s22] =	ssyncset.done $0x0  }
0x2e: {  	[sflag:s22] =	ssyncadd.s32 $0xFFFFC180  }
0x2f: {  	s26 =	sadd.s32 $0x7D0, s13;
	_ =	swait.ge [sflag:s23], $0x3E80  }
0x30: {  	s26 =	sshrl.u32 s26, $0x3;
	[sflag:s23] =	ssyncset.done $0x0  }
0x31: {  	s28 =	sadd.s32 s5, s26;
	[sflag:s23] =	ssyncadd.s32 $0xFFFFC180  }
0x32: {  	[tilespmem:s4], [sflag:$0x5] =	stream.linear.gather [hbm4b:s28+s4], $0x7D0, $0x38;
	[tilespmem:$0x14FF0] =	vst v63  }
0x33: {  	_ =	swait.ge [sflag:s15], $0x7D0  }
0x34: {  	[sflag:s15] =	ssyncset.done $0x0  }
0x35: {  	s26 =	sadd.s32 s6, s26;
	[sflag:s15] =	ssyncadd.s32 $0xFFFFF830  }
0x36: {  	[tilespmem:s24], [sflag:$0x5] =	stream.linear.gather [hbm4b:s26+s4], $0x7D0, $0x38;
	[tilespmem:$0x14FF0] =	vst v63  }
0x37: {  	_ =	swait.ge [sflag:s15], $0x7D0  }
0x38: {  	[sflag:s15] =	ssyncset.done $0x0  }
0x39: {  	[sflag:s15] =	ssyncadd.s32 $0xFFFFF830  }
0x3a: {  	[tilespmem:s17], [sflag:$0x1] =	stream.indirect.gather [hbm4b:s7+s16], $0x10, s4, s16, $0xb8;
	[tilespmem:$0x14FF0] =	vst v63  }
0x3b: {  	_ = 	snop  }
0x3c: {  	[tilespmem:s18], [sflag:$0x2] =	stream.indirect.gather [hbm4b:s7+s16], $0x10, s16, s16, $0xb8;
	[tilespmem:$0x14FF0] =	vst v63  }
0x3d: {  	_ =	swait.ge [sflag:s19], $0x3E80  }
0x3e: {  	[sflag:s19] =	ssyncset.done $0x0  }
0x3f: {  	[sflag:s19] =	ssyncadd.s32 $0xFFFFC180  }
0x40: {  	[spmem:s3] =	stream.indirect.scatter.add.f32 [tilespmem:s17], [sflag:$0x3], $0x10, s24, s16, $0xb8;
	[tilespmem:$0x14FF0] =	vst v63  }
0x41: {  	_ =	swait.ge [sflag:s20], $0x3E80  }
0x42: {  	[sflag:s20] =	ssyncset.done $0x0  }
0x43: {  	s26 =	simm.s32 $0xFA0;
	[sflag:s20] =	ssyncadd.s32 $0xFFFFC180  }
.LBB2_2:
0x44: {  	[spmem:s3] =	stream.indirect.scatter.add.f32 [tilespmem:s18], [sflag:$0x4], $0x10, s21, s16, $0xb8;
	[tilespmem:$0x14FF0] =	vst v63  }
0x45: {  	s28 =	smov.u32 s26  }
0x46: {  	p0 =	sne.s32 s26, $0xBB80;
	s26 =	sadd.s32 $0x7D0, s26;
	_ =	swait.ge [sflag:s22], $0x3E80  }
0x47: {  	[sflag:s22] =	ssyncset.done $0x0  }
0x48: {  	[sflag:s22] =	ssyncadd.s32 $0xFFFFC180  }
0x49: {  	s28 =	sadd.s32 s28, s13;
	_ =	swait.ge [sflag:s23], $0x3E80  }
0x4a: {  	s28 =	sshrl.u32 s28, $0x3;
	[sflag:s23] =	ssyncset.done $0x0  }
0x4b: {  	s29 =	sadd.s32 s5, s28;
	[sflag:s23] =	ssyncadd.s32 $0xFFFFC180  }
0x4c: {  	[tilespmem:s4], [sflag:$0x5] =	stream.linear.gather [hbm4b:s29+s4], $0x7D0, $0x38;
	[tilespmem:$0x14FF0] =	vst v63  }
0x4d: {  	_ =	swait.ge [sflag:s15], $0x7D0  }
0x4e: {  	[sflag:s15] =	ssyncset.done $0x0  }
0x4f: {  	s28 =	sadd.s32 s6, s28;
	[sflag:s15] =	ssyncadd.s32 $0xFFFFF830  }
0x50: {  	[tilespmem:s24], [sflag:$0x5] =	stream.linear.gather [hbm4b:s28+s4], $0x7D0, $0x38;
	[tilespmem:$0x14FF0] =	vst v63  }
0x51: {  	_ =	swait.ge [sflag:s15], $0x7D0  }
0x52: {  	[sflag:s15] =	ssyncset.done $0x0  }
0x53: {  	[sflag:s15] =	ssyncadd.s32 $0xFFFFF830  }
0x54: {  	[tilespmem:s17], [sflag:$0x1] =	stream.indirect.gather [hbm4b:s7+s16], $0x10, s4, s16, $0xb8;
	[tilespmem:$0x14FF0] =	vst v63  }
0x55: {  	_ = 	snop  }
0x56: {  	[tilespmem:s18], [sflag:$0x2] =	stream.indirect.gather [hbm4b:s7+s16], $0x10, s16, s16, $0xb8;
	[tilespmem:$0x14FF0] =	vst v63  }
0x57: {  	_ =	swait.ge [sflag:s19], $0x3E80  }
0x58: {  	[sflag:s19] =	ssyncset.done $0x0  }
.Ltmp0:
0x59: {  	[sflag:s19] =	ssyncadd.s32 $0xFFFFC180;
	(pc) =	sbr.rel @p0 .LBB2_2-.Ltmp0, $4  }
0x5a: {  	[spmem:s3] =	stream.indirect.scatter.add.f32 [tilespmem:s17], [sflag:$0x3], $0x10, s24, s16, $0xb8;
	[tilespmem:$0x14FF0] =	vst v63  }
0x5b: {  	_ =	swait.ge [sflag:s20], $0x3E80  }
0x5c: {  	[sflag:s20] =	ssyncset.done $0x0  }
0x5d: {  	[sflag:s20] =	ssyncadd.s32 $0xFFFFC180  }
0x5e: {  	[spmem:s3] =	stream.indirect.scatter.add.f32 [tilespmem:s18], [sflag:$0x4], $0x10, s21, s16, $0xb8;
	[tilespmem:$0x14FF0] =	vst v63  }
0x5f: {  	_ =	swait.ge [sflag:s22], $0x3E80  }
0x60: {  	[sflag:s22] =	ssyncset.done $0x0  }
0x61: {  	[sflag:s22] =	ssyncadd.s32 $0xFFFFC180  }
0x62: {  	_ =	swait.ge [sflag:s23], $0x3E80  }
0x63: {  	s25 =	sadd.s32 $0x1, s25;
	[sflag:s23] =	ssyncset.done $0x0  }
0x64: {  	p0 =	sne.s32 s25, s10;
	[sflag:s23] =	ssyncadd.s32 $0xFFFFC180  }
.Ltmp1:
0x65: {  	[bflag:$0x0] =	sbarrier.arrive $0xFFFF;
	(pc) =	sbr.rel @p0 .LBB2_1-.Ltmp1, $4  }
0x66: {  	[hbm:s9], [sflag:s8] =	dma.local [spmem:s14], $0x1870  }
0x67: {  	_ =	swait.ge [sflag:s15], $0x1870  }
0x68: {  	[sflag:s15] =	ssyncset.done $0x0  }
0x69: {  	[sflag:s15] =	ssyncadd.s32 $0xFFFFE790  }
0x6a: {  	_ =	sfence.sel $0x180000  }
0x6b: {  	[bflag:$0x0] =	sbarrier.arrive $0xFFFF  }
0x6c: {  	p0 =	sne.s32 s1, $0x0;
	_ =	strace $0x90000047  }
0x6d: {  	s0 =	sadd.s32 @!p0 $0x100000, s0;
	[bflag:$0x2] =	sbarrier.arrive $0xFFFF  }
0x6e: {  	[sflag:s0] =	ssyncadd.tile.s32 @!p0 $0x1;
	_ =	shalt  }
.Lfunc_end2:
_tile_overlayer_lowered:
.L_overlay_start_2:
0x6f: {  	(tag) =	ssettag $0x2  }
0x70: {  	s0 =	rddreg [dreg:$0x0];
	s2 =	stileid.u32  }
0x71: {  	s1 =	rddreg [dreg:$0x1];
	p0 =	sne.s32 s2, $0x0  }
0x72: {  	s3 =	rddreg [dreg:$0x2];
	[bflag:$0x3] =	sbarrier.arrive $0xFFFF;
	s2 =	simm.s32 @!p0 $0x1C05  }
0x73: {  	[timem:s3], [sflag:s2] =	dma.local @!p0 [hbm:s0], s1  }
0x74: {  	s0 =	simm.s32 @!p0 $0x5  }
0x75: {  	_ =	swait.ge @!p0 [sflag:s0], s1  }
0x76: {  	s1 =	ssub.s32 @!p0 $0x0, s1;
	[sflag:s0] =	ssyncset.done @!p0 $0x0  }
0x77: {  	[sflag:s0] =	ssyncadd.s32 @!p0 s1  }
0x78: {  	[bflag:$0x3] =	sbarrier.arrive $0xFFFF  }
0x79: {  	_ =	shalt  }

</sc_bundles>
